<compile_context>
chip_gen: v7x
topology: tpu7x:2x2x1
jax: 0.10.2.dev20260603
libtpu: 0.0.44.dev20260713+nightly
codegen_flags: <defaults>
</compile_context>

<pallas_src>
import jax
import jax.numpy as jnp
from jax import lax
from jax.experimental import pallas as pl
from jax.experimental.pallas import tpu as pltpu
from jax.experimental.pallas import tpu_sc as plsc

N_NODES = 10000
D = 128
E = 320000

NC = 2
NS = 16
NW = NC * NS

CHUNK = 128
CHUNKS_PER_W = 80
PHASES = (40, 40)
STAGE_ROWS = 40
E_ROWS = E // CHUNK
E_PAD = NW * CHUNKS_PER_W * CHUNK
NPAD = E_PAD - E
TAIL_REAL = E_ROWS % 8
TAIL_ROWS = TAIL_REAL + NPAD // CHUNK
MAIN_ROWS = E_ROWS - TAIL_REAL

N_PAD = 10240
ROWS_PER_TILE = N_PAD // NS
ACC_ROWS = N_PAD


def _sc_body(x_hbm, src_hbm, dst_hbm, srct, dstt, out_hbm, src_v, dst_v,
             r0, r1, acc, sem0, sem1):
    cid = lax.axis_index("c")
    sid = lax.axis_index("s")
    wid = cid * NS + sid

    def gather_start(j, rbuf, sem):
        pltpu.async_copy(x_hbm.at[src_v.at[j]], rbuf, sem)

    def gather_wait(rbuf, sem):
        pltpu.make_async_copy(x_hbm.at[src_v.at[0]], rbuf, sem).wait()

    def stage(ph):
        row0 = wid * CHUNKS_PER_W + ph * STAGE_ROWS

        @pl.when(wid < NW - 1)
        def _():
            pltpu.sync_copy(src_hbm.at[pl.ds(row0, STAGE_ROWS)], src_v)
            pltpu.sync_copy(dst_hbm.at[pl.ds(row0, STAGE_ROWS)], dst_v)

        @pl.when(wid == NW - 1)
        def _():
            if ph == 0:
                n0 = MAIN_ROWS - (NW - 1) * CHUNKS_PER_W
                n1 = STAGE_ROWS - n0
                pltpu.sync_copy(src_hbm.at[pl.ds(MAIN_ROWS - n0, n0)],
                                src_v.at[pl.ds(0, n0)])
                pltpu.sync_copy(dst_hbm.at[pl.ds(MAIN_ROWS - n0, n0)],
                                dst_v.at[pl.ds(0, n0)])
                pltpu.sync_copy(srct.at[pl.ds(0, n1)],
                                src_v.at[pl.ds(n0, n1)])
                pltpu.sync_copy(dstt.at[pl.ds(0, n1)],
                                dst_v.at[pl.ds(n0, n1)])
            else:
                off = TAIL_ROWS - STAGE_ROWS
                pltpu.sync_copy(srct.at[pl.ds(off, STAGE_ROWS)], src_v)
                pltpu.sync_copy(dstt.at[pl.ds(off, STAGE_ROWS)], dst_v)

    stage(0)
    gather_start(0, r1, sem1)

    zeros16 = jnp.zeros((16,), jnp.float32)

    def zrow(i, carry):
        for c in range(D // 16):
            r0[i, pl.ds(c * 16, 16)] = zeros16
        return carry

    lax.fori_loop(0, CHUNK, zrow, 0)

    base = sid * ROWS_PER_TILE
    for k in range(ROWS_PER_TILE // CHUNK):
        pltpu.sync_copy(r0, acc.at[pl.ds(base + k * CHUNK, CHUNK)])
    plsc.subcore_barrier()

    def phase_loop(nrows, ra, sa, rb, sb):
        def step(j, carry):
            c0 = 2 * j
            gather_start(c0 + 1, rb, sb)
            gather_wait(ra, sa)
            pltpu.sync_copy(ra, acc.at[dst_v.at[c0]], add=True)

            @pl.when(j < nrows // 2 - 1)
            def _():
                gather_start(c0 + 2, ra, sa)

            gather_wait(rb, sb)
            pltpu.sync_copy(rb, acc.at[dst_v.at[c0 + 1]], add=True)
            return carry

        lax.fori_loop(0, nrows // 2, step, 0)

    phase_loop(PHASES[0], r1, sem1, r0, sem0)
    for ph in range(1, len(PHASES)):
        stage(ph)
        gather_start(0, r0, sem0)
        phase_loop(PHASES[ph], r0, sem0, r1, sem1)

    plsc.subcore_barrier()
    pltpu.sync_copy(acc.at[pl.ds(base, ROWS_PER_TILE)],
                    out_hbm.at[cid, pl.ds(base, ROWS_PER_TILE)])


def _sc_aggregate(x, src2, dst2, srct, dstt):
    mesh = plsc.VectorSubcoreMesh(core_axis_name="c", subcore_axis_name="s")
    return pl.kernel(
        _sc_body,
        out_type=jax.ShapeDtypeStruct((NC, N_PAD, D), jnp.float32),
        mesh=mesh,
        scratch_types=[
            pltpu.VMEM((STAGE_ROWS, CHUNK), jnp.int32),
            pltpu.VMEM((STAGE_ROWS, CHUNK), jnp.int32),
            pltpu.VMEM((CHUNK, D), jnp.float32),
            pltpu.VMEM((CHUNK, D), jnp.float32),
            pltpu.VMEM_SHARED((ACC_ROWS, D), jnp.float32),
            pltpu.SemaphoreType.DMA,
            pltpu.SemaphoreType.DMA,
        ],
    )(x, src2, dst2, srct, dstt)


BM = 2000


def _mm_body(p_ref, w_ref, b_ref, o_ref):
    agg = p_ref[0] + p_ref[1]
    o_ref[...] = (
        jnp.dot(agg, w_ref[...], preferred_element_type=jnp.float32)
        + b_ref[...]
    )


def _mm_call(partial, wt, b2):
    return pl.pallas_call(
        _mm_body,
        grid=(N_NODES // BM,),
        in_specs=[
            pl.BlockSpec((NC, BM, D), lambda i: (0, i, 0)),
            pl.BlockSpec((D, D), lambda i: (0, 0)),
            pl.BlockSpec((1, D), lambda i: (0, 0)),
        ],
        out_specs=pl.BlockSpec((BM, D), lambda i: (i, 0)),
        out_shape=jax.ShapeDtypeStruct((N_NODES, D), jnp.float32),
    )(partial, wt, b2)


@jax.jit
def _gcn(x, edge_index, W, b):
    src = edge_index[0].astype(jnp.int32)
    dst = edge_index[1].astype(jnp.int32)
    src2 = src.reshape(E_ROWS, CHUNK)
    dst2 = dst.reshape(E_ROWS, CHUNK)
    pad_src = jnp.arange(NPAD, dtype=jnp.int32) % N_NODES
    pad_dst = N_NODES + jnp.arange(NPAD, dtype=jnp.int32) % (N_PAD - N_NODES)
    srct = jnp.concatenate(
        [src[MAIN_ROWS * CHUNK:], pad_src]).reshape(TAIL_ROWS, CHUNK)
    dstt = jnp.concatenate(
        [dst[MAIN_ROWS * CHUNK:], pad_dst]).reshape(TAIL_ROWS, CHUNK)
    partial = _sc_aggregate(x, src2, dst2, srct, dstt)
    return _mm_call(partial, W.T, b.reshape(1, D))


def kernel(x, edge_index, W, b):
    return _gcn(x, edge_index, W, b)

# --- scband reference (transcript-rebuilt; emitter-appended) ---
"""Pipeline reference for scband-graph-convolution-layer-78804059947399 (READ-ONLY COPY).

The authoritative reference and input builder live on the scoring server;
editing this copy changes nothing except your own understanding.
"""

import jax, jax.numpy as jnp
import numpy as np

N_NODES = 10000
N_EDGES = 320000
D_IN = 128
D_OUT = 128

def setup_inputs(seed: int = 0) -> dict:
    key = jax.random.key(seed)
    k1, k2, k3, k4 = jax.random.split(key, 4)
    x = jax.random.normal(k1, (N_NODES, D_IN), dtype=jnp.float32)
    edge_index = jax.random.randint(k2, (2, N_EDGES), 0, N_NODES, dtype=jnp.int64)
    # nn.Linear(in_feats, out_feats) parameters
    bound = 1.0 / np.sqrt(D_IN)
    W = jax.random.uniform(k3, (D_OUT, D_IN), minval=-bound, maxval=bound, dtype=jnp.float32)
    b = jax.random.uniform(k4, (D_OUT,), minval=-bound, maxval=bound, dtype=jnp.float32)
    return {"x": x, "edge_index": edge_index, "W": W, "b": b}

def reference(x, edge_index, W, b):
    # GCN message passing: copy src features along edges, sum at dst
    src = edge_index[0]
    dst = edge_index[1]
    msgs = jnp.take(x, src, axis=0)                      # gather: [E, D_IN]
    agg = jax.ops.segment_sum(msgs, dst, num_segments=N_NODES)  # scatter-add: [N, D_IN]
    # NodeUpdateModule: linear (activation=None, dropout=0)
    h = agg @ W.T + b
    return h

if __name__ == "__main__":
    import jax
    _d = setup_inputs()
    print(jax.jit(kernel)(*tuple(_d.values())))

</pallas_src>

<mosaic_0001>
#map = affine_map<(d0, d1) -> (0, 0)>
#map1 = affine_map<(d0, d1) -> (0, 0, 0)>
module attributes {stable_mosaic.version = 14 : i64} {
  func.func @_sc_body(%arg0: i32, %arg1: i32, %arg2: memref<10000x128xf32, #tpu.memory_space<hbm>>, %arg3: memref<2500x128xi32, #tpu.memory_space<hbm>>, %arg4: memref<2500x128xi32, #tpu.memory_space<hbm>>, %arg5: memref<64x128xi32, #tpu.memory_space<hbm>>, %arg6: memref<64x128xi32, #tpu.memory_space<hbm>>, %arg7: memref<2x10240x128xf32, #tpu.memory_space<hbm>>, %arg8: memref<40x128xi32, #tpu.memory_space<vmem>>, %arg9: memref<40x128xi32, #tpu.memory_space<vmem>>, %arg10: memref<128x128xf32, #tpu.memory_space<vmem>>, %arg11: memref<128x128xf32, #tpu.memory_space<vmem>>, %arg12: memref<10240x128xf32, #tpu.memory_space<vmem_shared>>, %arg13: memref<!tpu.dma_semaphore, #tpu.memory_space<semaphore_mem>>, %arg14: memref<!tpu.dma_semaphore, #tpu.memory_space<semaphore_mem>>) attributes {dimension_semantics = [#tpu.dimension_semantics<core_parallel>, #tpu.dimension_semantics<subcore_parallel>], iteration_bounds = array<i64: 2, 16>, scalar_prefetch = 0 : i64, scratch_operands = 7 : i64, tpu.core_type = #tpu.core_type<sc_vector_subcore>, window_params = [{transform_indices = #map}, {transform_indices = #map}, {transform_indices = #map}, {transform_indices = #map}, {transform_indices = #map}, {transform_indices = #map1}]} {
    %mul3A = arith.constant 16 : i32
    %mul3A_0 = arith.muli %arg0, %mul3A : i32
    %add3A = arith.addi %mul3A_0, %arg1 : i32
    %mul3A_1 = arith.constant 80 : i32
    %mul3A_2 = arith.muli %add3A, %mul3A_1 : i32
    %add3A_3 = arith.constant 0 : i32
    %add3A_4 = arith.addi %mul3A_2, %add3A_3 : i32
    %lt3A = arith.constant 31 : i32
    %lt3A_5 = arith.cmpi slt, %add3A, %lt3A : i32
    %convert_element_type3A = arith.extui %lt3A_5 : i1 to i32
    %cond3A = arith.constant 0 : i32
    %cond3A_6 = arith.cmpi ne, %convert_element_type3A, %cond3A : i32
    scf.if %cond3A_6 {
      "tpu.region"() ({
        %run_scoped3A = tpu.sem_alloc : memref<!tpu.dma_semaphore, #tpu.memory_space<semaphore_mem>>
        %dma_start3A_69 = arith.constant 0 : i32
        %dma_start3A_70 = tpu.memref_slice %arg3[%add3A_4, %dma_start3A_69] : memref<2500x128xi32, #tpu.memory_space<hbm>> -> memref<40x128xi32, #tpu.memory_space<hbm>>
        %dma_start3A_71 = arith.constant 0 : i32
        %dma_start3A_72 = tpu.memref_slice %arg3[%add3A_4, %dma_start3A_71] : memref<2500x128xi32, #tpu.memory_space<hbm>> -> memref<40x128xi32, #tpu.memory_space<hbm>>
        tpu.enqueue_dma source(%dma_start3A_72 : memref<40x128xi32, #tpu.memory_space<hbm>>) target(%arg8 : memref<40x128xi32, #tpu.memory_space<vmem>>) target_semaphore(%run_scoped3A : memref<!tpu.dma_semaphore, #tpu.memory_space<semaphore_mem>>)
        %dma_wait3A = arith.constant 0 : i32
        %dma_wait3A_73 = tpu.memref_slice %arg3[%add3A_4, %dma_wait3A] : memref<2500x128xi32, #tpu.memory_space<hbm>> -> memref<40x128xi32, #tpu.memory_space<hbm>>
        %dma_wait3A_74 = arith.constant 0 : i32
        %dma_wait3A_75 = tpu.memref_slice %arg3[%add3A_4, %dma_wait3A_74] : memref<2500x128xi32, #tpu.memory_space<hbm>> -> memref<40x128xi32, #tpu.memory_space<hbm>>
        tpu.wait_dma2 semaphore(%run_scoped3A : memref<!tpu.dma_semaphore, #tpu.memory_space<semaphore_mem>>) src(%dma_wait3A_75 : memref<40x128xi32, #tpu.memory_space<hbm>>) dst(%arg8 : memref<40x128xi32, #tpu.memory_space<vmem>>)
        tpu.yield
      }) : () -> ()
      "tpu.region"() ({
        %run_scoped3A = tpu.sem_alloc : memref<!tpu.dma_semaphore, #tpu.memory_space<semaphore_mem>>
        %dma_start3A_69 = arith.constant 0 : i32
        %dma_start3A_70 = tpu.memref_slice %arg4[%add3A_4, %dma_start3A_69] : memref<2500x128xi32, #tpu.memory_space<hbm>> -> memref<40x128xi32, #tpu.memory_space<hbm>>
        %dma_start3A_71 = arith.constant 0 : i32
        %dma_start3A_72 = tpu.memref_slice %arg4[%add3A_4, %dma_start3A_71] : memref<2500x128xi32, #tpu.memory_space<hbm>> -> memref<40x128xi32, #tpu.memory_space<hbm>>
        tpu.enqueue_dma source(%dma_start3A_72 : memref<40x128xi32, #tpu.memory_space<hbm>>) target(%arg9 : memref<40x128xi32, #tpu.memory_space<vmem>>) target_semaphore(%run_scoped3A : memref<!tpu.dma_semaphore, #tpu.memory_space<semaphore_mem>>)
        %dma_wait3A = arith.constant 0 : i32
        %dma_wait3A_73 = tpu.memref_slice %arg4[%add3A_4, %dma_wait3A] : memref<2500x128xi32, #tpu.memory_space<hbm>> -> memref<40x128xi32, #tpu.memory_space<hbm>>
        %dma_wait3A_74 = arith.constant 0 : i32
        %dma_wait3A_75 = tpu.memref_slice %arg4[%add3A_4, %dma_wait3A_74] : memref<2500x128xi32, #tpu.memory_space<hbm>> -> memref<40x128xi32, #tpu.memory_space<hbm>>
        tpu.wait_dma2 semaphore(%run_scoped3A : memref<!tpu.dma_semaphore, #tpu.memory_space<semaphore_mem>>) src(%dma_wait3A_75 : memref<40x128xi32, #tpu.memory_space<hbm>>) dst(%arg9 : memref<40x128xi32, #tpu.memory_space<vmem>>)
        tpu.yield
      }) : () -> ()
    } else {
    }
    %eq3A = arith.constant 31 : i32
    %eq3A_7 = arith.cmpi eq, %add3A, %eq3A : i32
    %convert_element_type3A_8 = arith.extui %eq3A_7 : i1 to i32
    %cond3A_9 = arith.constant 0 : i32
    %cond3A_10 = arith.cmpi ne, %convert_element_type3A_8, %cond3A_9 : i32
    scf.if %cond3A_10 {
      "tpu.region"() ({
        %run_scoped3A = tpu.sem_alloc : memref<!tpu.dma_semaphore, #tpu.memory_space<semaphore_mem>>
        %dma_start3A_69 = arith.constant 0 : i32
        %dma_start3A_70 = arith.constant 0 : i32
        %dma_start3A_71 = tpu.memref_slice %arg8[%dma_start3A_69, %dma_start3A_70] : memref<40x128xi32, #tpu.memory_space<vmem>> -> memref<16x128xi32, #tpu.memory_space<vmem>>
        %dma_start3A_72 = arith.constant 2480 : i32
        %dma_start3A_73 = arith.constant 0 : i32
        %dma_start3A_74 = tpu.memref_slice %arg3[%dma_start3A_72, %dma_start3A_73] : memref<2500x128xi32, #tpu.memory_space<hbm>> -> memref<16x128xi32, #tpu.memory_space<hbm>>
        %dma_start3A_75 = arith.constant 0 : i32
        %dma_start3A_76 = arith.constant 0 : i32
        %dma_start3A_77 = tpu.memref_slice %arg8[%dma_start3A_75, %dma_start3A_76] : memref<40x128xi32, #tpu.memory_space<vmem>> -> memref<16x128xi32, #tpu.memory_space<vmem>>
        %dma_start3A_78 = arith.constant 2480 : i32
        %dma_start3A_79 = arith.constant 0 : i32
        %dma_start3A_80 = tpu.memref_slice %arg3[%dma_start3A_78, %dma_start3A_79] : memref<2500x128xi32, #tpu.memory_space<hbm>> -> memref<16x128xi32, #tpu.memory_space<hbm>>
        tpu.enqueue_dma source(%dma_start3A_80 : memref<16x128xi32, #tpu.memory_space<hbm>>) target(%dma_start3A_77 : memref<16x128xi32, #tpu.memory_space<vmem>>) target_semaphore(%run_scoped3A : memref<!tpu.dma_semaphore, #tpu.memory_space<semaphore_mem>>)
        %dma_wait3A = arith.constant 0 : i32
        %dma_wait3A_81 = arith.constant 0 : i32
        %dma_wait3A_82 = tpu.memref_slice %arg8[%dma_wait3A, %dma_wait3A_81] : memref<40x128xi32, #tpu.memory_space<vmem>> -> memref<16x128xi32, #tpu.memory_space<vmem>>
        %dma_wait3A_83 = arith.constant 2480 : i32
        %dma_wait3A_84 = arith.constant 0 : i32
        %dma_wait3A_85 = tpu.memref_slice %arg3[%dma_wait3A_83, %dma_wait3A_84] : memref<2500x128xi32, #tpu.memory_space<hbm>> -> memref<16x128xi32, #tpu.memory_space<hbm>>
        %dma_wait3A_86 = arith.constant 0 : i32
        %dma_wait3A_87 = arith.constant 0 : i32
        %dma_wait3A_88 = tpu.memref_slice %arg8[%dma_wait3A_86, %dma_wait3A_87] : memref<40x128xi32, #tpu.memory_space<vmem>> -> memref<16x128xi32, #tpu.memory_space<vmem>>
        %dma_wait3A_89 = arith.constant 2480 : i32
        %dma_wait3A_90 = arith.constant 0 : i32
        %dma_wait3A_91 = tpu.memref_slice %arg3[%dma_wait3A_89, %dma_wait3A_90] : memref<2500x128xi32, #tpu.memory_space<hbm>> -> memref<16x128xi32, #tpu.memory_space<hbm>>
        tpu.wait_dma2 semaphore(%run_scoped3A : memref<!tpu.dma_semaphore, #tpu.memory_space<semaphore_mem>>) src(%dma_wait3A_91 : memref<16x128xi32, #tpu.memory_space<hbm>>) dst(%dma_wait3A_88 : memref<16x128xi32, #tpu.memory_space<vmem>>)
        tpu.yield
      }) : () -> ()
      "tpu.region"() ({
        %run_scoped3A = tpu.sem_alloc : memref<!tpu.dma_semaphore, #tpu.memory_space<semaphore_mem>>
        %dma_start3A_69 = arith.constant 0 : i32
        %dma_start3A_70 = arith.constant 0 : i32
        %dma_start3A_71 = tpu.memref_slice %arg9[%dma_start3A_69, %dma_start3A_70] : memref<40x128xi32, #tpu.memory_space<vmem>> -> memref<16x128xi32, #tpu.memory_space<vmem>>
        %dma_start3A_72 = arith.constant 2480 : i32
        %dma_start3A_73 = arith.constant 0 : i32
        %dma_start3A_74 = tpu.memref_slice %arg4[%dma_start3A_72, %dma_start3A_73] : memref<2500x128xi32, #tpu.memory_space<hbm>> -> memref<16x128xi32, #tpu.memory_space<hbm>>
        %dma_start3A_75 = arith.constant 0 : i32
        %dma_start3A_76 = arith.constant 0 : i32
        %dma_start3A_77 = tpu.memref_slice %arg9[%dma_start3A_75, %dma_start3A_76] : memref<40x128xi32, #tpu.memory_space<vmem>> -> memref<16x128xi32, #tpu.memory_space<vmem>>
        %dma_start3A_78 = arith.constant 2480 : i32
        %dma_start3A_79 = arith.constant 0 : i32
        %dma_start3A_80 = tpu.memref_slice %arg4[%dma_start3A_78, %dma_start3A_79] : memref<2500x128xi32, #tpu.memory_space<hbm>> -> memref<16x128xi32, #tpu.memory_space<hbm>>
        tpu.enqueue_dma source(%dma_start3A_80 : memref<16x128xi32, #tpu.memory_space<hbm>>) target(%dma_start3A_77 : memref<16x128xi32, #tpu.memory_space<vmem>>) target_semaphore(%run_scoped3A : memref<!tpu.dma_semaphore, #tpu.memory_space<semaphore_mem>>)
        %dma_wait3A = arith.constant 0 : i32
        %dma_wait3A_81 = arith.constant 0 : i32
        %dma_wait3A_82 = tpu.memref_slice %arg9[%dma_wait3A, %dma_wait3A_81] : memref<40x128xi32, #tpu.memory_space<vmem>> -> memref<16x128xi32, #tpu.memory_space<vmem>>
        %dma_wait3A_83 = arith.constant 2480 : i32
        %dma_wait3A_84 = arith.constant 0 : i32
        %dma_wait3A_85 = tpu.memref_slice %arg4[%dma_wait3A_83, %dma_wait3A_84] : memref<2500x128xi32, #tpu.memory_space<hbm>> -> memref<16x128xi32, #tpu.memory_space<hbm>>
        %dma_wait3A_86 = arith.constant 0 : i32
        %dma_wait3A_87 = arith.constant 0 : i32
        %dma_wait3A_88 = tpu.memref_slice %arg9[%dma_wait3A_86, %dma_wait3A_87] : memref<40x128xi32, #tpu.memory_space<vmem>> -> memref<16x128xi32, #tpu.memory_space<vmem>>
        %dma_wait3A_89 = arith.constant 2480 : i32
        %dma_wait3A_90 = arith.constant 0 : i32
        %dma_wait3A_91 = tpu.memref_slice %arg4[%dma_wait3A_89, %dma_wait3A_90] : memref<2500x128xi32, #tpu.memory_space<hbm>> -> memref<16x128xi32, #tpu.memory_space<hbm>>
        tpu.wait_dma2 semaphore(%run_scoped3A : memref<!tpu.dma_semaphore, #tpu.memory_space<semaphore_mem>>) src(%dma_wait3A_91 : memref<16x128xi32, #tpu.memory_space<hbm>>) dst(%dma_wait3A_88 : memref<16x128xi32, #tpu.memory_space<vmem>>)
        tpu.yield
      }) : () -> ()
      "tpu.region"() ({
        %run_scoped3A = tpu.sem_alloc : memref<!tpu.dma_semaphore, #tpu.memory_space<semaphore_mem>>
        %dma_start3A_69 = arith.constant 16 : i32
        %dma_start3A_70 = arith.constant 0 : i32
        %dma_start3A_71 = tpu.memref_slice %arg8[%dma_start3A_69, %dma_start3A_70] : memref<40x128xi32, #tpu.memory_space<vmem>> -> memref<24x128xi32, #tpu.memory_space<vmem>>
        %dma_start3A_72 = arith.constant 0 : i32
        %dma_start3A_73 = arith.constant 0 : i32
        %dma_start3A_74 = tpu.memref_slice %arg5[%dma_start3A_72, %dma_start3A_73] : memref<64x128xi32, #tpu.memory_space<hbm>> -> memref<24x128xi32, #tpu.memory_space<hbm>>
        %dma_start3A_75 = arith.constant 16 : i32
        %dma_start3A_76 = arith.constant 0 : i32
        %dma_start3A_77 = tpu.memref_slice %arg8[%dma_start3A_75, %dma_start3A_76] : memref<40x128xi32, #tpu.memory_space<vmem>> -> memref<24x128xi32, #tpu.memory_space<vmem>>
        %dma_start3A_78 = arith.constant 0 : i32
        %dma_start3A_79 = arith.constant 0 : i32
        %dma_start3A_80 = tpu.memref_slice %arg5[%dma_start3A_78, %dma_start3A_79] : memref<64x128xi32, #tpu.memory_space<hbm>> -> memref<24x128xi32, #tpu.memory_space<hbm>>
        tpu.enqueue_dma source(%dma_start3A_80 : memref<24x128xi32, #tpu.memory_space<hbm>>) target(%dma_start3A_77 : memref<24x128xi32, #tpu.memory_space<vmem>>) target_semaphore(%run_scoped3A : memref<!tpu.dma_semaphore, #tpu.memory_space<semaphore_mem>>)
        %dma_wait3A = arith.constant 16 : i32
        %dma_wait3A_81 = arith.constant 0 : i32
        %dma_wait3A_82 = tpu.memref_slice %arg8[%dma_wait3A, %dma_wait3A_81] : memref<40x128xi32, #tpu.memory_space<vmem>> -> memref<24x128xi32, #tpu.memory_space<vmem>>
        %dma_wait3A_83 = arith.constant 0 : i32
        %dma_wait3A_84 = arith.constant 0 : i32
        %dma_wait3A_85 = tpu.memref_slice %arg5[%dma_wait3A_83, %dma_wait3A_84] : memref<64x128xi32, #tpu.memory_space<hbm>> -> memref<24x128xi32, #tpu.memory_space<hbm>>
        %dma_wait3A_86 = arith.constant 16 : i32
        %dma_wait3A_87 = arith.constant 0 : i32
        %dma_wait3A_88 = tpu.memref_slice %arg8[%dma_wait3A_86, %dma_wait3A_87] : memref<40x128xi32, #tpu.memory_space<vmem>> -> memref<24x128xi32, #tpu.memory_space<vmem>>
        %dma_wait3A_89 = arith.constant 0 : i32
        %dma_wait3A_90 = arith.constant 0 : i32
        %dma_wait3A_91 = tpu.memref_slice %arg5[%dma_wait3A_89, %dma_wait3A_90] : memref<64x128xi32, #tpu.memory_space<hbm>> -> memref<24x128xi32, #tpu.memory_space<hbm>>
        tpu.wait_dma2 semaphore(%run_scoped3A : memref<!tpu.dma_semaphore, #tpu.memory_space<semaphore_mem>>) src(%dma_wait3A_91 : memref<24x128xi32, #tpu.memory_space<hbm>>) dst(%dma_wait3A_88 : memref<24x128xi32, #tpu.memory_space<vmem>>)
        tpu.yield
      }) : () -> ()
      "tpu.region"() ({
        %run_scoped3A = tpu.sem_alloc : memref<!tpu.dma_semaphore, #tpu.memory_space<semaphore_mem>>
        %dma_start3A_69 = arith.constant 16 : i32
        %dma_start3A_70 = arith.constant 0 : i32
        %dma_start3A_71 = tpu.memref_slice %arg9[%dma_start3A_69, %dma_start3A_70] : memref<40x128xi32, #tpu.memory_space<vmem>> -> memref<24x128xi32, #tpu.memory_space<vmem>>
        %dma_start3A_72 = arith.constant 0 : i32
        %dma_start3A_73 = arith.constant 0 : i32
        %dma_start3A_74 = tpu.memref_slice %arg6[%dma_start3A_72, %dma_start3A_73] : memref<64x128xi32, #tpu.memory_space<hbm>> -> memref<24x128xi32, #tpu.memory_space<hbm>>
        %dma_start3A_75 = arith.constant 16 : i32
        %dma_start3A_76 = arith.constant 0 : i32
        %dma_start3A_77 = tpu.memref_slice %arg9[%dma_start3A_75, %dma_start3A_76] : memref<40x128xi32, #tpu.memory_space<vmem>> -> memref<24x128xi32, #tpu.memory_space<vmem>>
        %dma_start3A_78 = arith.constant 0 : i32
        %dma_start3A_79 = arith.constant 0 : i32
        %dma_start3A_80 = tpu.memref_slice %arg6[%dma_start3A_78, %dma_start3A_79] : memref<64x128xi32, #tpu.memory_space<hbm>> -> memref<24x128xi32, #tpu.memory_space<hbm>>
        tpu.enqueue_dma source(%dma_start3A_80 : memref<24x128xi32, #tpu.memory_space<hbm>>) target(%dma_start3A_77 : memref<24x128xi32, #tpu.memory_space<vmem>>) target_semaphore(%run_scoped3A : memref<!tpu.dma_semaphore, #tpu.memory_space<semaphore_mem>>)
        %dma_wait3A = arith.constant 16 : i32
        %dma_wait3A_81 = arith.constant 0 : i32
        %dma_wait3A_82 = tpu.memref_slice %arg9[%dma_wait3A, %dma_wait3A_81] : memref<40x128xi32, #tpu.memory_space<vmem>> -> memref<24x128xi32, #tpu.memory_space<vmem>>
        %dma_wait3A_83 = arith.constant 0 : i32
        %dma_wait3A_84 = arith.constant 0 : i32
        %dma_wait3A_85 = tpu.memref_slice %arg6[%dma_wait3A_83, %dma_wait3A_84] : memref<64x128xi32, #tpu.memory_space<hbm>> -> memref<24x128xi32, #tpu.memory_space<hbm>>
        %dma_wait3A_86 = arith.constant 16 : i32
        %dma_wait3A_87 = arith.constant 0 : i32
        %dma_wait3A_88 = tpu.memref_slice %arg9[%dma_wait3A_86, %dma_wait3A_87] : memref<40x128xi32, #tpu.memory_space<vmem>> -> memref<24x128xi32, #tpu.memory_space<vmem>>
        %dma_wait3A_89 = arith.constant 0 : i32
        %dma_wait3A_90 = arith.constant 0 : i32
        %dma_wait3A_91 = tpu.memref_slice %arg6[%dma_wait3A_89, %dma_wait3A_90] : memref<64x128xi32, #tpu.memory_space<hbm>> -> memref<24x128xi32, #tpu.memory_space<hbm>>
        tpu.wait_dma2 semaphore(%run_scoped3A : memref<!tpu.dma_semaphore, #tpu.memory_space<semaphore_mem>>) src(%dma_wait3A_91 : memref<24x128xi32, #tpu.memory_space<hbm>>) dst(%dma_wait3A_88 : memref<24x128xi32, #tpu.memory_space<vmem>>)
        tpu.yield
      }) : () -> ()
    } else {
    }
    %dma_start3A = arith.constant 0 : i32
    %dma_start3A_11 = arith.constant 0 : i32
    %dma_start3A_12 = tpu.memref_slice %arg8[%dma_start3A, %dma_start3A_11] : memref<40x128xi32, #tpu.memory_space<vmem>> -> memref<1x128xi32, #tpu.memory_space<vmem>>
    %dma_start3A_13 = tpu.memref_squeeze %dma_start3A_12 : memref<1x128xi32, #tpu.memory_space<vmem>> -> memref<128xi32, #tpu.memory_space<vmem>>
    %dma_start3A_14 = arith.constant 0 : i32
    %dma_start3A_15 = arith.constant 0 : i32
    %dma_start3A_16 = tpu.memref_slice %arg2[%dma_start3A_14, %dma_start3A_15] : memref<10000x128xf32, #tpu.memory_space<hbm>> -> memref<10000x128xf32, #tpu.memory_space<hbm>>
    tpu.enqueue_indirect_dma source(%dma_start3A_16 : memref<10000x128xf32, #tpu.memory_space<hbm>>) target(%arg11 : memref<128x128xf32, #tpu.memory_space<vmem>>) offsets(%dma_start3A_13 : memref<128xi32, #tpu.memory_space<vmem>>) semaphore(%arg14 : memref<!tpu.dma_semaphore, #tpu.memory_space<semaphore_mem>>)
    %broadcast_in_dim3A = arith.constant 0.000000e+00 : f32
    %broadcast_in_dim3A_17 = vector.broadcast %broadcast_in_dim3A : f32 to vector<16xf32>
    %scan3A = arith.constant 0 : i32
    %scan3A_18 = arith.constant 0 : i32
    %scan3A_19 = arith.constant 128 : i32
    %scan3A_20 = arith.addi %scan3A_18, %scan3A_19 : i32
    %scan3A_21 = arith.constant 1 : i32
    scf.for %scan3A_69 = %scan3A_18 to %scan3A_20 step %scan3A_21  : i32 {
      %swap3A = arith.index_cast %scan3A_69 : i32 to index
      %swap3A_70 = arith.constant 0 : index
      %swap3A_71 = tpu.vector_load %arg10[%swap3A, %swap3A_70] {strides = array<i32>} : memref<128x128xf32, #tpu.memory_space<vmem>>, vector<1x16xf32>,
      %swap3A_72 = vector.shape_cast %swap3A_71 : vector<1x16xf32> to vector<16xf32>
      %swap3A_73 = vector.shape_cast %broadcast_in_dim3A_17 : vector<16xf32> to vector<1x16xf32>
      tpu.vector_store %arg10[%swap3A, %swap3A_70], %swap3A_73 {strides = array<i32>} : memref<128x128xf32, #tpu.memory_space<vmem>>, vector<1x16xf32>,
      %swap3A_74 = arith.index_cast %scan3A_69 : i32 to index
      %swap3A_75 = arith.constant 16 : index
      %swap3A_76 = tpu.vector_load %arg10[%swap3A_74, %swap3A_75] {strides = array<i32>} : memref<128x128xf32, #tpu.memory_space<vmem>>, vector<1x16xf32>,
      %swap3A_77 = vector.shape_cast %swap3A_76 : vector<1x16xf32> to vector<16xf32>
      %swap3A_78 = vector.shape_cast %broadcast_in_dim3A_17 : vector<16xf32> to vector<1x16xf32>
      tpu.vector_store %arg10[%swap3A_74, %swap3A_75], %swap3A_78 {strides = array<i32>} : memref<128x128xf32, #tpu.memory_space<vmem>>, vector<1x16xf32>,
      %swap3A_79 = arith.index_cast %scan3A_69 : i32 to index
      %swap3A_80 = arith.constant 32 : index
      %swap3A_81 = tpu.vector_load %arg10[%swap3A_79, %swap3A_80] {strides = array<i32>} : memref<128x128xf32, #tpu.memory_space<vmem>>, vector<1x16xf32>,
      %swap3A_82 = vector.shape_cast %swap3A_81 : vector<1x16xf32> to vector<16xf32>
      %swap3A_83 = vector.shape_cast %broadcast_in_dim3A_17 : vector<16xf32> to vector<1x16xf32>
      tpu.vector_store %arg10[%swap3A_79, %swap3A_80], %swap3A_83 {strides = array<i32>} : memref<128x128xf32, #tpu.memory_space<vmem>>, vector<1x16xf32>,
      %swap3A_84 = arith.index_cast %scan3A_69 : i32 to index
      %swap3A_85 = arith.constant 48 : index
      %swap3A_86 = tpu.vector_load %arg10[%swap3A_84, %swap3A_85] {strides = array<i32>} : memref<128x128xf32, #tpu.memory_space<vmem>>, vector<1x16xf32>,
      %swap3A_87 = vector.shape_cast %swap3A_86 : vector<1x16xf32> to vector<16xf32>
      %swap3A_88 = vector.shape_cast %broadcast_in_dim3A_17 : vector<16xf32> to vector<1x16xf32>
      tpu.vector_store %arg10[%swap3A_84, %swap3A_85], %swap3A_88 {strides = array<i32>} : memref<128x128xf32, #tpu.memory_space<vmem>>, vector<1x16xf32>,
      %swap3A_89 = arith.index_cast %scan3A_69 : i32 to index
      %swap3A_90 = arith.constant 64 : index
      %swap3A_91 = tpu.vector_load %arg10[%swap3A_89, %swap3A_90] {strides = array<i32>} : memref<128x128xf32, #tpu.memory_space<vmem>>, vector<1x16xf32>,
      %swap3A_92 = vector.shape_cast %swap3A_91 : vector<1x16xf32> to vector<16xf32>
      %swap3A_93 = vector.shape_cast %broadcast_in_dim3A_17 : vector<16xf32> to vector<1x16xf32>
      tpu.vector_store %arg10[%swap3A_89, %swap3A_90], %swap3A_93 {strides = array<i32>} : memref<128x128xf32, #tpu.memory_space<vmem>>, vector<1x16xf32>,
      %swap3A_94 = arith.index_cast %scan3A_69 : i32 to index
      %swap3A_95 = arith.constant 80 : index
      %swap3A_96 = tpu.vector_load %arg10[%swap3A_94, %swap3A_95] {strides = array<i32>} : memref<128x128xf32, #tpu.memory_space<vmem>>, vector<1x16xf32>,
      %swap3A_97 = vector.shape_cast %swap3A_96 : vector<1x16xf32> to vector<16xf32>
      %swap3A_98 = vector.shape_cast %broadcast_in_dim3A_17 : vector<16xf32> to vector<1x16xf32>
      tpu.vector_store %arg10[%swap3A_94, %swap3A_95], %swap3A_98 {strides = array<i32>} : memref<128x128xf32, #tpu.memory_space<vmem>>, vector<1x16xf32>,
      %swap3A_99 = arith.index_cast %scan3A_69 : i32 to index
      %swap3A_100 = arith.constant 96 : index
      %swap3A_101 = tpu.vector_load %arg10[%swap3A_99, %swap3A_100] {strides = array<i32>} : memref<128x128xf32, #tpu.memory_space<vmem>>, vector<1x16xf32>,
      %swap3A_102 = vector.shape_cast %swap3A_101 : vector<1x16xf32> to vector<16xf32>
      %swap3A_103 = vector.shape_cast %broadcast_in_dim3A_17 : vector<16xf32> to vector<1x16xf32>
      tpu.vector_store %arg10[%swap3A_99, %swap3A_100], %swap3A_103 {strides = array<i32>} : memref<128x128xf32, #tpu.memory_space<vmem>>, vector<1x16xf32>,
      %swap3A_104 = arith.index_cast %scan3A_69 : i32 to index
      %swap3A_105 = arith.constant 112 : index
      %swap3A_106 = tpu.vector_load %arg10[%swap3A_104, %swap3A_105] {strides = array<i32>} : memref<128x128xf32, #tpu.memory_space<vmem>>, vector<1x16xf32>,
      %swap3A_107 = vector.shape_cast %swap3A_106 : vector<1x16xf32> to vector<16xf32>
      %swap3A_108 = vector.shape_cast %broadcast_in_dim3A_17 : vector<16xf32> to vector<1x16xf32>
      tpu.vector_store %arg10[%swap3A_104, %swap3A_105], %swap3A_108 {strides = array<i32>} : memref<128x128xf32, #tpu.memory_space<vmem>>, vector<1x16xf32>,
    }
    %scan3A_22 = arith.constant 128 : i32
    %mul3A_23 = arith.constant 640 : i32
    %mul3A_24 = arith.muli %arg1, %mul3A_23 : i32
    %add3A_25 = arith.constant 0 : i32
    %add3A_26 = arith.addi %mul3A_24, %add3A_25 : i32
    "tpu.region"() ({
      %run_scoped3A = tpu.sem_alloc : memref<!tpu.dma_semaphore, #tpu.memory_space<semaphore_mem>>
      %dma_start3A_69 = arith.constant 0 : i32
      %dma_start3A_70 = tpu.memref_slice %arg12[%add3A_26, %dma_start3A_69] : memref<10240x128xf32, #tpu.memory_space<vmem_shared>> -> memref<128x128xf32, #tpu.memory_space<vmem_shared>>
      %dma_start3A_71 = arith.constant 0 : i32
      %dma_start3A_72 = tpu.memref_slice %arg12[%add3A_26, %dma_start3A_71] : memref<10240x128xf32, #tpu.memory_space<vmem_shared>> -> memref<128x128xf32, #tpu.memory_space<vmem_shared>>
      tpu.enqueue_dma source(%arg10 : memref<128x128xf32, #tpu.memory_space<vmem>>) target(%dma_start3A_72 : memref<128x128xf32, #tpu.memory_space<vmem_shared>>) target_semaphore(%run_scoped3A : memref<!tpu.dma_semaphore, #tpu.memory_space<semaphore_mem>>)
      %dma_wait3A = arith.constant 0 : i32
      %dma_wait3A_73 = tpu.memref_slice %arg12[%add3A_26, %dma_wait3A] : memref<10240x128xf32, #tpu.memory_space<vmem_shared>> -> memref<128x128xf32, #tpu.memory_space<vmem_shared>>
      %dma_wait3A_74 = arith.constant 0 : i32
      %dma_wait3A_75 = tpu.memref_slice %arg12[%add3A_26, %dma_wait3A_74] : memref<10240x128xf32, #tpu.memory_space<vmem_shared>> -> memref<128x128xf32, #tpu.memory_space<vmem_shared>>
      tpu.wait_dma2 semaphore(%run_scoped3A : memref<!tpu.dma_semaphore, #tpu.memory_space<semaphore_mem>>) src(%arg10 : memref<128x128xf32, #tpu.memory_space<vmem>>) dst(%dma_wait3A_75 : memref<128x128xf32, #tpu.memory_space<vmem_shared>>)
      tpu.yield
    }) : () -> ()
    %add3A_27 = arith.constant 128 : i32
    %add3A_28 = arith.addi %mul3A_24, %add3A_27 : i32
    "tpu.region"() ({
      %run_scoped3A = tpu.sem_alloc : memref<!tpu.dma_semaphore, #tpu.memory_space<semaphore_mem>>
      %dma_start3A_69 = arith.constant 0 : i32
      %dma_start3A_70 = tpu.memref_slice %arg12[%add3A_28, %dma_start3A_69] : memref<10240x128xf32, #tpu.memory_space<vmem_shared>> -> memref<128x128xf32, #tpu.memory_space<vmem_shared>>
      %dma_start3A_71 = arith.constant 0 : i32
      %dma_start3A_72 = tpu.memref_slice %arg12[%add3A_28, %dma_start3A_71] : memref<10240x128xf32, #tpu.memory_space<vmem_shared>> -> memref<128x128xf32, #tpu.memory_space<vmem_shared>>
      tpu.enqueue_dma source(%arg10 : memref<128x128xf32, #tpu.memory_space<vmem>>) target(%dma_start3A_72 : memref<128x128xf32, #tpu.memory_space<vmem_shared>>) target_semaphore(%run_scoped3A : memref<!tpu.dma_semaphore, #tpu.memory_space<semaphore_mem>>)
      %dma_wait3A = arith.constant 0 : i32
      %dma_wait3A_73 = tpu.memref_slice %arg12[%add3A_28, %dma_wait3A] : memref<10240x128xf32, #tpu.memory_space<vmem_shared>> -> memref<128x128xf32, #tpu.memory_space<vmem_shared>>
      %dma_wait3A_74 = arith.constant 0 : i32
      %dma_wait3A_75 = tpu.memref_slice %arg12[%add3A_28, %dma_wait3A_74] : memref<10240x128xf32, #tpu.memory_space<vmem_shared>> -> memref<128x128xf32, #tpu.memory_space<vmem_shared>>
      tpu.wait_dma2 semaphore(%run_scoped3A : memref<!tpu.dma_semaphore, #tpu.memory_space<semaphore_mem>>) src(%arg10 : memref<128x128xf32, #tpu.memory_space<vmem>>) dst(%dma_wait3A_75 : memref<128x128xf32, #tpu.memory_space<vmem_shared>>)
      tpu.yield
    }) : () -> ()
    %add3A_29 = arith.constant 256 : i32
    %add3A_30 = arith.addi %mul3A_24, %add3A_29 : i32
    "tpu.region"() ({
      %run_scoped3A = tpu.sem_alloc : memref<!tpu.dma_semaphore, #tpu.memory_space<semaphore_mem>>
      %dma_start3A_69 = arith.constant 0 : i32
      %dma_start3A_70 = tpu.memref_slice %arg12[%add3A_30, %dma_start3A_69] : memref<10240x128xf32, #tpu.memory_space<vmem_shared>> -> memref<128x128xf32, #tpu.memory_space<vmem_shared>>
      %dma_start3A_71 = arith.constant 0 : i32
      %dma_start3A_72 = tpu.memref_slice %arg12[%add3A_30, %dma_start3A_71] : memref<10240x128xf32, #tpu.memory_space<vmem_shared>> -> memref<128x128xf32, #tpu.memory_space<vmem_shared>>
      tpu.enqueue_dma source(%arg10 : memref<128x128xf32, #tpu.memory_space<vmem>>) target(%dma_start3A_72 : memref<128x128xf32, #tpu.memory_space<vmem_shared>>) target_semaphore(%run_scoped3A : memref<!tpu.dma_semaphore, #tpu.memory_space<semaphore_mem>>)
      %dma_wait3A = arith.constant 0 : i32
      %dma_wait3A_73 = tpu.memref_slice %arg12[%add3A_30, %dma_wait3A] : memref<10240x128xf32, #tpu.memory_space<vmem_shared>> -> memref<128x128xf32, #tpu.memory_space<vmem_shared>>
      %dma_wait3A_74 = arith.constant 0 : i32
      %dma_wait3A_75 = tpu.memref_slice %arg12[%add3A_30, %dma_wait3A_74] : memref<10240x128xf32, #tpu.memory_space<vmem_shared>> -> memref<128x128xf32, #tpu.memory_space<vmem_shared>>
      tpu.wait_dma2 semaphore(%run_scoped3A : memref<!tpu.dma_semaphore, #tpu.memory_space<semaphore_mem>>) src(%arg10 : memref<128x128xf32, #tpu.memory_space<vmem>>) dst(%dma_wait3A_75 : memref<128x128xf32, #tpu.memory_space<vmem_shared>>)
      tpu.yield
    }) : () -> ()
    %add3A_31 = arith.constant 384 : i32
    %add3A_32 = arith.addi %mul3A_24, %add3A_31 : i32
    "tpu.region"() ({
      %run_scoped3A = tpu.sem_alloc : memref<!tpu.dma_semaphore, #tpu.memory_space<semaphore_mem>>
      %dma_start3A_69 = arith.constant 0 : i32
      %dma_start3A_70 = tpu.memref_slice %arg12[%add3A_32, %dma_start3A_69] : memref<10240x128xf32, #tpu.memory_space<vmem_shared>> -> memref<128x128xf32, #tpu.memory_space<vmem_shared>>
      %dma_start3A_71 = arith.constant 0 : i32
      %dma_start3A_72 = tpu.memref_slice %arg12[%add3A_32, %dma_start3A_71] : memref<10240x128xf32, #tpu.memory_space<vmem_shared>> -> memref<128x128xf32, #tpu.memory_space<vmem_shared>>
      tpu.enqueue_dma source(%arg10 : memref<128x128xf32, #tpu.memory_space<vmem>>) target(%dma_start3A_72 : memref<128x128xf32, #tpu.memory_space<vmem_shared>>) target_semaphore(%run_scoped3A : memref<!tpu.dma_semaphore, #tpu.memory_space<semaphore_mem>>)
      %dma_wait3A = arith.constant 0 : i32
      %dma_wait3A_73 = tpu.memref_slice %arg12[%add3A_32, %dma_wait3A] : memref<10240x128xf32, #tpu.memory_space<vmem_shared>> -> memref<128x128xf32, #tpu.memory_space<vmem_shared>>
      %dma_wait3A_74 = arith.constant 0 : i32
      %dma_wait3A_75 = tpu.memref_slice %arg12[%add3A_32, %dma_wait3A_74] : memref<10240x128xf32, #tpu.memory_space<vmem_shared>> -> memref<128x128xf32, #tpu.memory_space<vmem_shared>>
      tpu.wait_dma2 semaphore(%run_scoped3A : memref<!tpu.dma_semaphore, #tpu.memory_space<semaphore_mem>>) src(%arg10 : memref<128x128xf32, #tpu.memory_space<vmem>>) dst(%dma_wait3A_75 : memref<128x128xf32, #tpu.memory_space<vmem_shared>>)
      tpu.yield
    }) : () -> ()
    %add3A_33 = arith.constant 512 : i32
    %add3A_34 = arith.addi %mul3A_24, %add3A_33 : i32
    "tpu.region"() ({
      %run_scoped3A = tpu.sem_alloc : memref<!tpu.dma_semaphore, #tpu.memory_space<semaphore_mem>>
      %dma_start3A_69 = arith.constant 0 : i32
      %dma_start3A_70 = tpu.memref_slice %arg12[%add3A_34, %dma_start3A_69] : memref<10240x128xf32, #tpu.memory_space<vmem_shared>> -> memref<128x128xf32, #tpu.memory_space<vmem_shared>>
      %dma_start3A_71 = arith.constant 0 : i32
      %dma_start3A_72 = tpu.memref_slice %arg12[%add3A_34, %dma_start3A_71] : memref<10240x128xf32, #tpu.memory_space<vmem_shared>> -> memref<128x128xf32, #tpu.memory_space<vmem_shared>>
      tpu.enqueue_dma source(%arg10 : memref<128x128xf32, #tpu.memory_space<vmem>>) target(%dma_start3A_72 : memref<128x128xf32, #tpu.memory_space<vmem_shared>>) target_semaphore(%run_scoped3A : memref<!tpu.dma_semaphore, #tpu.memory_space<semaphore_mem>>)
      %dma_wait3A = arith.constant 0 : i32
      %dma_wait3A_73 = tpu.memref_slice %arg12[%add3A_34, %dma_wait3A] : memref<10240x128xf32, #tpu.memory_space<vmem_shared>> -> memref<128x128xf32, #tpu.memory_space<vmem_shared>>
      %dma_wait3A_74 = arith.constant 0 : i32
      %dma_wait3A_75 = tpu.memref_slice %arg12[%add3A_34, %dma_wait3A_74] : memref<10240x128xf32, #tpu.memory_space<vmem_shared>> -> memref<128x128xf32, #tpu.memory_space<vmem_shared>>
      tpu.wait_dma2 semaphore(%run_scoped3A : memref<!tpu.dma_semaphore, #tpu.memory_space<semaphore_mem>>) src(%arg10 : memref<128x128xf32, #tpu.memory_space<vmem>>) dst(%dma_wait3A_75 : memref<128x128xf32, #tpu.memory_space<vmem_shared>>)
      tpu.yield
    }) : () -> ()
    %barrier3A = arith.constant 0 : index
    tpu.barrier barrier_id(%barrier3A)
    %scan3A_35 = arith.constant 0 : i32
    %scan3A_36 = arith.constant 0 : i32
    %scan3A_37 = arith.constant 20 : i32
    %scan3A_38 = arith.addi %scan3A_36, %scan3A_37 : i32
    %scan3A_39 = arith.constant 1 : i32
    scf.for %scan3A_69 = %scan3A_36 to %scan3A_38 step %scan3A_39  : i32 {
      %mul3A_70 = arith.constant 2 : i32
      %mul3A_71 = arith.muli %mul3A_70, %scan3A_69 : i32
      %add3A_72 = arith.constant 1 : i32
      %add3A_73 = arith.addi %mul3A_71, %add3A_72 : i32
      %dma_start3A_74 = arith.constant 0 : i32
      %dma_start3A_75 = tpu.memref_slice %arg8[%add3A_73, %dma_start3A_74] : memref<40x128xi32, #tpu.memory_space<vmem>> -> memref<1x128xi32, #tpu.memory_space<vmem>>
      %dma_start3A_76 = tpu.memref_squeeze %dma_start3A_75 : memref<1x128xi32, #tpu.memory_space<vmem>> -> memref<128xi32, #tpu.memory_space<vmem>>
      %dma_start3A_77 = arith.constant 0 : i32
      %dma_start3A_78 = arith.constant 0 : i32
      %dma_start3A_79 = tpu.memref_slice %arg2[%dma_start3A_77, %dma_start3A_78] : memref<10000x128xf32, #tpu.memory_space<hbm>> -> memref<10000x128xf32, #tpu.memory_space<hbm>>
      tpu.enqueue_indirect_dma source(%dma_start3A_79 : memref<10000x128xf32, #tpu.memory_space<hbm>>) target(%arg10 : memref<128x128xf32, #tpu.memory_space<vmem>>) offsets(%dma_start3A_76 : memref<128xi32, #tpu.memory_space<vmem>>) semaphore(%arg13 : memref<!tpu.dma_semaphore, #tpu.memory_space<semaphore_mem>>)
      %dma_wait3A = arith.constant 0 : i32
      %dma_wait3A_80 = arith.constant 0 : i32
      %dma_wait3A_81 = tpu.memref_slice %arg8[%dma_wait3A, %dma_wait3A_80] : memref<40x128xi32, #tpu.memory_space<vmem>> -> memref<1x128xi32, #tpu.memory_space<vmem>>
      %dma_wait3A_82 = tpu.memref_squeeze %dma_wait3A_81 : memref<1x128xi32, #tpu.memory_space<vmem>> -> memref<128xi32, #tpu.memory_space<vmem>>
      %dma_wait3A_83 = arith.constant 0 : i32
      %dma_wait3A_84 = arith.constant 0 : i32
      %dma_wait3A_85 = tpu.memref_slice %arg2[%dma_wait3A_83, %dma_wait3A_84] : memref<10000x128xf32, #tpu.memory_space<hbm>> -> memref<10000x128xf32, #tpu.memory_space<hbm>>
      tpu.wait_indirect_dma semaphore(%arg14 : memref<!tpu.dma_semaphore, #tpu.memory_space<semaphore_mem>>) src(%dma_wait3A_85 : memref<10000x128xf32, #tpu.memory_space<hbm>>) dst(%arg11 : memref<128x128xf32, #tpu.memory_space<vmem>>)
      "tpu.region"() ({
        %run_scoped3A = tpu.sem_alloc : memref<!tpu.dma_semaphore, #tpu.memory_space<semaphore_mem>>
        %dma_start3A_100 = arith.constant 0 : i32
        %dma_start3A_101 = tpu.memref_slice %arg9[%mul3A_71, %dma_start3A_100] : memref<40x128xi32, #tpu.memory_space<vmem>> -> memref<1x128xi32, #tpu.memory_space<vmem>>
        %dma_start3A_102 = tpu.memref_squeeze %dma_start3A_101 : memref<1x128xi32, #tpu.memory_space<vmem>> -> memref<128xi32, #tpu.memory_space<vmem>>
        %dma_start3A_103 = arith.constant 0 : i32
        %dma_start3A_104 = arith.constant 0 : i32
        %dma_start3A_105 = tpu.memref_slice %arg12[%dma_start3A_103, %dma_start3A_104] : memref<10240x128xf32, #tpu.memory_space<vmem_shared>> -> memref<10240x128xf32, #tpu.memory_space<vmem_shared>>
        tpu.enqueue_indirect_dma source(%arg11 : memref<128x128xf32, #tpu.memory_space<vmem>>) target(%dma_start3A_105 : memref<10240x128xf32, #tpu.memory_space<vmem_shared>>) offsets(%dma_start3A_102 : memref<128xi32, #tpu.memory_space<vmem>>) semaphore(%run_scoped3A : memref<!tpu.dma_semaphore, #tpu.memory_space<semaphore_mem>>) {add = true}
        %dma_wait3A_106 = arith.constant 0 : i32
        %dma_wait3A_107 = tpu.memref_slice %arg9[%mul3A_71, %dma_wait3A_106] : memref<40x128xi32, #tpu.memory_space<vmem>> -> memref<1x128xi32, #tpu.memory_space<vmem>>
        %dma_wait3A_108 = tpu.memref_squeeze %dma_wait3A_107 : memref<1x128xi32, #tpu.memory_space<vmem>> -> memref<128xi32, #tpu.memory_space<vmem>>
        %dma_wait3A_109 = arith.constant 0 : i32
        %dma_wait3A_110 = arith.constant 0 : i32
        %dma_wait3A_111 = tpu.memref_slice %arg12[%dma_wait3A_109, %dma_wait3A_110] : memref<10240x128xf32, #tpu.memory_space<vmem_shared>> -> memref<10240x128xf32, #tpu.memory_space<vmem_shared>>
        tpu.wait_indirect_dma semaphore(%run_scoped3A : memref<!tpu.dma_semaphore, #tpu.memory_space<semaphore_mem>>) src(%arg11 : memref<128x128xf32, #tpu.memory_space<vmem>>) dst(%dma_wait3A_111 : memref<10240x128xf32, #tpu.memory_space<vmem_shared>>)
        tpu.yield
      }) : () -> ()
      %lt3A_86 = arith.constant 19 : i32
      %lt3A_87 = arith.cmpi slt, %scan3A_69, %lt3A_86 : i32
      %convert_element_type3A_88 = arith.extui %lt3A_87 : i1 to i32
      %cond3A_89 = arith.constant 0 : i32
      %cond3A_90 = arith.cmpi ne, %convert_element_type3A_88, %cond3A_89 : i32
      scf.if %cond3A_90 {
        %add3A_100 = arith.constant 2 : i32
        %add3A_101 = arith.addi %mul3A_71, %add3A_100 : i32
        %dma_start3A_102 = arith.constant 0 : i32
        %dma_start3A_103 = tpu.memref_slice %arg8[%add3A_101, %dma_start3A_102] : memref<40x128xi32, #tpu.memory_space<vmem>> -> memref<1x128xi32, #tpu.memory_space<vmem>>
        %dma_start3A_104 = tpu.memref_squeeze %dma_start3A_103 : memref<1x128xi32, #tpu.memory_space<vmem>> -> memref<128xi32, #tpu.memory_space<vmem>>
        %dma_start3A_105 = arith.constant 0 : i32
        %dma_start3A_106 = arith.constant 0 : i32
        %dma_start3A_107 = tpu.memref_slice %arg2[%dma_start3A_105, %dma_start3A_106] : memref<10000x128xf32, #tpu.memory_space<hbm>> -> memref<10000x128xf32, #tpu.memory_space<hbm>>
        tpu.enqueue_indirect_dma source(%dma_start3A_107 : memref<10000x128xf32, #tpu.memory_space<hbm>>) target(%arg11 : memref<128x128xf32, #tpu.memory_space<vmem>>) offsets(%dma_start3A_104 : memref<128xi32, #tpu.memory_space<vmem>>) semaphore(%arg14 : memref<!tpu.dma_semaphore, #tpu.memory_space<semaphore_mem>>)
      } else {
      }
      %dma_wait3A_91 = arith.constant 0 : i32
      %dma_wait3A_92 = arith.constant 0 : i32
      %dma_wait3A_93 = tpu.memref_slice %arg8[%dma_wait3A_91, %dma_wait3A_92] : memref<40x128xi32, #tpu.memory_space<vmem>> -> memref<1x128xi32, #tpu.memory_space<vmem>>
      %dma_wait3A_94 = tpu.memref_squeeze %dma_wait3A_93 : memref<1x128xi32, #tpu.memory_space<vmem>> -> memref<128xi32, #tpu.memory_space<vmem>>
      %dma_wait3A_95 = arith.constant 0 : i32
      %dma_wait3A_96 = arith.constant 0 : i32
      %dma_wait3A_97 = tpu.memref_slice %arg2[%dma_wait3A_95, %dma_wait3A_96] : memref<10000x128xf32, #tpu.memory_space<hbm>> -> memref<10000x128xf32, #tpu.memory_space<hbm>>
      tpu.wait_indirect_dma semaphore(%arg13 : memref<!tpu.dma_semaphore, #tpu.memory_space<semaphore_mem>>) src(%dma_wait3A_97 : memref<10000x128xf32, #tpu.memory_space<hbm>>) dst(%arg10 : memref<128x128xf32, #tpu.memory_space<vmem>>)
      %add3A_98 = arith.constant 1 : i32
      %add3A_99 = arith.addi %mul3A_71, %add3A_98 : i32
      "tpu.region"() ({
        %run_scoped3A = tpu.sem_alloc : memref<!tpu.dma_semaphore, #tpu.memory_space<semaphore_mem>>
        %dma_start3A_100 = arith.constant 0 : i32
        %dma_start3A_101 = tpu.memref_slice %arg9[%add3A_99, %dma_start3A_100] : memref<40x128xi32, #tpu.memory_space<vmem>> -> memref<1x128xi32, #tpu.memory_space<vmem>>
        %dma_start3A_102 = tpu.memref_squeeze %dma_start3A_101 : memref<1x128xi32, #tpu.memory_space<vmem>> -> memref<128xi32, #tpu.memory_space<vmem>>
        %dma_start3A_103 = arith.constant 0 : i32
        %dma_start3A_104 = arith.constant 0 : i32
        %dma_start3A_105 = tpu.memref_slice %arg12[%dma_start3A_103, %dma_start3A_104] : memref<10240x128xf32, #tpu.memory_space<vmem_shared>> -> memref<10240x128xf32, #tpu.memory_space<vmem_shared>>
        tpu.enqueue_indirect_dma source(%arg10 : memref<128x128xf32, #tpu.memory_space<vmem>>) target(%dma_start3A_105 : memref<10240x128xf32, #tpu.memory_space<vmem_shared>>) offsets(%dma_start3A_102 : memref<128xi32, #tpu.memory_space<vmem>>) semaphore(%run_scoped3A : memref<!tpu.dma_semaphore, #tpu.memory_space<semaphore_mem>>) {add = true}
        %dma_wait3A_106 = arith.constant 0 : i32
        %dma_wait3A_107 = tpu.memref_slice %arg9[%add3A_99, %dma_wait3A_106] : memref<40x128xi32, #tpu.memory_space<vmem>> -> memref<1x128xi32, #tpu.memory_space<vmem>>
        %dma_wait3A_108 = tpu.memref_squeeze %dma_wait3A_107 : memref<1x128xi32, #tpu.memory_space<vmem>> -> memref<128xi32, #tpu.memory_space<vmem>>
        %dma_wait3A_109 = arith.constant 0 : i32
        %dma_wait3A_110 = arith.constant 0 : i32
        %dma_wait3A_111 = tpu.memref_slice %arg12[%dma_wait3A_109, %dma_wait3A_110] : memref<10240x128xf32, #tpu.memory_space<vmem_shared>> -> memref<10240x128xf32, #tpu.memory_space<vmem_shared>>
        tpu.wait_indirect_dma semaphore(%run_scoped3A : memref<!tpu.dma_semaphore, #tpu.memory_space<semaphore_mem>>) src(%arg10 : memref<128x128xf32, #tpu.memory_space<vmem>>) dst(%dma_wait3A_111 : memref<10240x128xf32, #tpu.memory_space<vmem_shared>>)
        tpu.yield
      }) : () -> ()
    }
    %scan3A_40 = arith.constant 20 : i32
    %mul3A_41 = arith.constant 80 : i32
    %mul3A_42 = arith.muli %add3A, %mul3A_41 : i32
    %add3A_43 = arith.constant 40 : i32
    %add3A_44 = arith.addi %mul3A_42, %add3A_43 : i32
    %lt3A_45 = arith.constant 31 : i32
    %lt3A_46 = arith.cmpi slt, %add3A, %lt3A_45 : i32
    %convert_element_type3A_47 = arith.extui %lt3A_46 : i1 to i32
    %cond3A_48 = arith.constant 0 : i32
    %cond3A_49 = arith.cmpi ne, %convert_element_type3A_47, %cond3A_48 : i32
    scf.if %cond3A_49 {
      "tpu.region"() ({
        %run_scoped3A = tpu.sem_alloc : memref<!tpu.dma_semaphore, #tpu.memory_space<semaphore_mem>>
        %dma_start3A_69 = arith.constant 0 : i32
        %dma_start3A_70 = tpu.memref_slice %arg3[%add3A_44, %dma_start3A_69] : memref<2500x128xi32, #tpu.memory_space<hbm>> -> memref<40x128xi32, #tpu.memory_space<hbm>>
        %dma_start3A_71 = arith.constant 0 : i32
        %dma_start3A_72 = tpu.memref_slice %arg3[%add3A_44, %dma_start3A_71] : memref<2500x128xi32, #tpu.memory_space<hbm>> -> memref<40x128xi32, #tpu.memory_space<hbm>>
        tpu.enqueue_dma source(%dma_start3A_72 : memref<40x128xi32, #tpu.memory_space<hbm>>) target(%arg8 : memref<40x128xi32, #tpu.memory_space<vmem>>) target_semaphore(%run_scoped3A : memref<!tpu.dma_semaphore, #tpu.memory_space<semaphore_mem>>)
        %dma_wait3A = arith.constant 0 : i32
        %dma_wait3A_73 = tpu.memref_slice %arg3[%add3A_44, %dma_wait3A] : memref<2500x128xi32, #tpu.memory_space<hbm>> -> memref<40x128xi32, #tpu.memory_space<hbm>>
        %dma_wait3A_74 = arith.constant 0 : i32
        %dma_wait3A_75 = tpu.memref_slice %arg3[%add3A_44, %dma_wait3A_74] : memref<2500x128xi32, #tpu.memory_space<hbm>> -> memref<40x128xi32, #tpu.memory_space<hbm>>
        tpu.wait_dma2 semaphore(%run_scoped3A : memref<!tpu.dma_semaphore, #tpu.memory_space<semaphore_mem>>) src(%dma_wait3A_75 : memref<40x128xi32, #tpu.memory_space<hbm>>) dst(%arg8 : memref<40x128xi32, #tpu.memory_space<vmem>>)
        tpu.yield
      }) : () -> ()
      "tpu.region"() ({
        %run_scoped3A = tpu.sem_alloc : memref<!tpu.dma_semaphore, #tpu.memory_space<semaphore_mem>>
        %dma_start3A_69 = arith.constant 0 : i32
        %dma_start3A_70 = tpu.memref_slice %arg4[%add3A_44, %dma_start3A_69] : memref<2500x128xi32, #tpu.memory_space<hbm>> -> memref<40x128xi32, #tpu.memory_space<hbm>>
        %dma_start3A_71 = arith.constant 0 : i32
        %dma_start3A_72 = tpu.memref_slice %arg4[%add3A_44, %dma_start3A_71] : memref<2500x128xi32, #tpu.memory_space<hbm>> -> memref<40x128xi32, #tpu.memory_space<hbm>>
        tpu.enqueue_dma source(%dma_start3A_72 : memref<40x128xi32, #tpu.memory_space<hbm>>) target(%arg9 : memref<40x128xi32, #tpu.memory_space<vmem>>) target_semaphore(%run_scoped3A : memref<!tpu.dma_semaphore, #tpu.memory_space<semaphore_mem>>)
        %dma_wait3A = arith.constant 0 : i32
        %dma_wait3A_73 = tpu.memref_slice %arg4[%add3A_44, %dma_wait3A] : memref<2500x128xi32, #tpu.memory_space<hbm>> -> memref<40x128xi32, #tpu.memory_space<hbm>>
        %dma_wait3A_74 = arith.constant 0 : i32
        %dma_wait3A_75 = tpu.memref_slice %arg4[%add3A_44, %dma_wait3A_74] : memref<2500x128xi32, #tpu.memory_space<hbm>> -> memref<40x128xi32, #tpu.memory_space<hbm>>
        tpu.wait_dma2 semaphore(%run_scoped3A : memref<!tpu.dma_semaphore, #tpu.memory_space<semaphore_mem>>) src(%dma_wait3A_75 : memref<40x128xi32, #tpu.memory_space<hbm>>) dst(%arg9 : memref<40x128xi32, #tpu.memory_space<vmem>>)
        tpu.yield
      }) : () -> ()
    } else {
    }
    %eq3A_50 = arith.constant 31 : i32
    %eq3A_51 = arith.cmpi eq, %add3A, %eq3A_50 : i32
    %convert_element_type3A_52 = arith.extui %eq3A_51 : i1 to i32
    %cond3A_53 = arith.constant 0 : i32
    %cond3A_54 = arith.cmpi ne, %convert_element_type3A_52, %cond3A_53 : i32
    scf.if %cond3A_54 {
      "tpu.region"() ({
        %run_scoped3A = tpu.sem_alloc : memref<!tpu.dma_semaphore, #tpu.memory_space<semaphore_mem>>
        %dma_start3A_69 = arith.constant 24 : i32
        %dma_start3A_70 = arith.constant 0 : i32
        %dma_start3A_71 = tpu.memref_slice %arg5[%dma_start3A_69, %dma_start3A_70] : memref<64x128xi32, #tpu.memory_space<hbm>> -> memref<40x128xi32, #tpu.memory_space<hbm>>
        %dma_start3A_72 = arith.constant 24 : i32
        %dma_start3A_73 = arith.constant 0 : i32
        %dma_start3A_74 = tpu.memref_slice %arg5[%dma_start3A_72, %dma_start3A_73] : memref<64x128xi32, #tpu.memory_space<hbm>> -> memref<40x128xi32, #tpu.memory_space<hbm>>
        tpu.enqueue_dma source(%dma_start3A_74 : memref<40x128xi32, #tpu.memory_space<hbm>>) target(%arg8 : memref<40x128xi32, #tpu.memory_space<vmem>>) target_semaphore(%run_scoped3A : memref<!tpu.dma_semaphore, #tpu.memory_space<semaphore_mem>>)
        %dma_wait3A = arith.constant 24 : i32
        %dma_wait3A_75 = arith.constant 0 : i32
        %dma_wait3A_76 = tpu.memref_slice %arg5[%dma_wait3A, %dma_wait3A_75] : memref<64x128xi32, #tpu.memory_space<hbm>> -> memref<40x128xi32, #tpu.memory_space<hbm>>
        %dma_wait3A_77 = arith.constant 24 : i32
        %dma_wait3A_78 = arith.constant 0 : i32
        %dma_wait3A_79 = tpu.memref_slice %arg5[%dma_wait3A_77, %dma_wait3A_78] : memref<64x128xi32, #tpu.memory_space<hbm>> -> memref<40x128xi32, #tpu.memory_space<hbm>>
        tpu.wait_dma2 semaphore(%run_scoped3A : memref<!tpu.dma_semaphore, #tpu.memory_space<semaphore_mem>>) src(%dma_wait3A_79 : memref<40x128xi32, #tpu.memory_space<hbm>>) dst(%arg8 : memref<40x128xi32, #tpu.memory_space<vmem>>)
        tpu.yield
      }) : () -> ()
      "tpu.region"() ({
        %run_scoped3A = tpu.sem_alloc : memref<!tpu.dma_semaphore, #tpu.memory_space<semaphore_mem>>
        %dma_start3A_69 = arith.constant 24 : i32
        %dma_start3A_70 = arith.constant 0 : i32
        %dma_start3A_71 = tpu.memref_slice %arg6[%dma_start3A_69, %dma_start3A_70] : memref<64x128xi32, #tpu.memory_space<hbm>> -> memref<40x128xi32, #tpu.memory_space<hbm>>
        %dma_start3A_72 = arith.constant 24 : i32
        %dma_start3A_73 = arith.constant 0 : i32
        %dma_start3A_74 = tpu.memref_slice %arg6[%dma_start3A_72, %dma_start3A_73] : memref<64x128xi32, #tpu.memory_space<hbm>> -> memref<40x128xi32, #tpu.memory_space<hbm>>
        tpu.enqueue_dma source(%dma_start3A_74 : memref<40x128xi32, #tpu.memory_space<hbm>>) target(%arg9 : memref<40x128xi32, #tpu.memory_space<vmem>>) target_semaphore(%run_scoped3A : memref<!tpu.dma_semaphore, #tpu.memory_space<semaphore_mem>>)
        %dma_wait3A = arith.constant 24 : i32
        %dma_wait3A_75 = arith.constant 0 : i32
        %dma_wait3A_76 = tpu.memref_slice %arg6[%dma_wait3A, %dma_wait3A_75] : memref<64x128xi32, #tpu.memory_space<hbm>> -> memref<40x128xi32, #tpu.memory_space<hbm>>
        %dma_wait3A_77 = arith.constant 24 : i32
        %dma_wait3A_78 = arith.constant 0 : i32
        %dma_wait3A_79 = tpu.memref_slice %arg6[%dma_wait3A_77, %dma_wait3A_78] : memref<64x128xi32, #tpu.memory_space<hbm>> -> memref<40x128xi32, #tpu.memory_space<hbm>>
        tpu.wait_dma2 semaphore(%run_scoped3A : memref<!tpu.dma_semaphore, #tpu.memory_space<semaphore_mem>>) src(%dma_wait3A_79 : memref<40x128xi32, #tpu.memory_space<hbm>>) dst(%arg9 : memref<40x128xi32, #tpu.memory_space<vmem>>)
        tpu.yield
      }) : () -> ()
    } else {
    }
    %dma_start3A_55 = arith.constant 0 : i32
    %dma_start3A_56 = arith.constant 0 : i32
    %dma_start3A_57 = tpu.memref_slice %arg8[%dma_start3A_55, %dma_start3A_56] : memref<40x128xi32, #tpu.memory_space<vmem>> -> memref<1x128xi32, #tpu.memory_space<vmem>>
    %dma_start3A_58 = tpu.memref_squeeze %dma_start3A_57 : memref<1x128xi32, #tpu.memory_space<vmem>> -> memref<128xi32, #tpu.memory_space<vmem>>
    %dma_start3A_59 = arith.constant 0 : i32
    %dma_start3A_60 = arith.constant 0 : i32
    %dma_start3A_61 = tpu.memref_slice %arg2[%dma_start3A_59, %dma_start3A_60] : memref<10000x128xf32, #tpu.memory_space<hbm>> -> memref<10000x128xf32, #tpu.memory_space<hbm>>
    tpu.enqueue_indirect_dma source(%dma_start3A_61 : memref<10000x128xf32, #tpu.memory_space<hbm>>) target(%arg10 : memref<128x128xf32, #tpu.memory_space<vmem>>) offsets(%dma_start3A_58 : memref<128xi32, #tpu.memory_space<vmem>>) semaphore(%arg13 : memref<!tpu.dma_semaphore, #tpu.memory_space<semaphore_mem>>)
    %scan3A_62 = arith.constant 0 : i32
    %scan3A_63 = arith.constant 0 : i32
    %scan3A_64 = arith.constant 20 : i32
    %scan3A_65 = arith.addi %scan3A_63, %scan3A_64 : i32
    %scan3A_66 = arith.constant 1 : i32
    scf.for %scan3A_69 = %scan3A_63 to %scan3A_65 step %scan3A_66  : i32 {
      %mul3A_70 = arith.constant 2 : i32
      %mul3A_71 = arith.muli %mul3A_70, %scan3A_69 : i32
      %add3A_72 = arith.constant 1 : i32
      %add3A_73 = arith.addi %mul3A_71, %add3A_72 : i32
      %dma_start3A_74 = arith.constant 0 : i32
      %dma_start3A_75 = tpu.memref_slice %arg8[%add3A_73, %dma_start3A_74] : memref<40x128xi32, #tpu.memory_space<vmem>> -> memref<1x128xi32, #tpu.memory_space<vmem>>
      %dma_start3A_76 = tpu.memref_squeeze %dma_start3A_75 : memref<1x128xi32, #tpu.memory_space<vmem>> -> memref<128xi32, #tpu.memory_space<vmem>>
      %dma_start3A_77 = arith.constant 0 : i32
      %dma_start3A_78 = arith.constant 0 : i32
      %dma_start3A_79 = tpu.memref_slice %arg2[%dma_start3A_77, %dma_start3A_78] : memref<10000x128xf32, #tpu.memory_space<hbm>> -> memref<10000x128xf32, #tpu.memory_space<hbm>>
      tpu.enqueue_indirect_dma source(%dma_start3A_79 : memref<10000x128xf32, #tpu.memory_space<hbm>>) target(%arg11 : memref<128x128xf32, #tpu.memory_space<vmem>>) offsets(%dma_start3A_76 : memref<128xi32, #tpu.memory_space<vmem>>) semaphore(%arg14 : memref<!tpu.dma_semaphore, #tpu.memory_space<semaphore_mem>>)
      %dma_wait3A = arith.constant 0 : i32
      %dma_wait3A_80 = arith.constant 0 : i32
      %dma_wait3A_81 = tpu.memref_slice %arg8[%dma_wait3A, %dma_wait3A_80] : memref<40x128xi32, #tpu.memory_space<vmem>> -> memref<1x128xi32, #tpu.memory_space<vmem>>
      %dma_wait3A_82 = tpu.memref_squeeze %dma_wait3A_81 : memref<1x128xi32, #tpu.memory_space<vmem>> -> memref<128xi32, #tpu.memory_space<vmem>>
      %dma_wait3A_83 = arith.constant 0 : i32
      %dma_wait3A_84 = arith.constant 0 : i32
      %dma_wait3A_85 = tpu.memref_slice %arg2[%dma_wait3A_83, %dma_wait3A_84] : memref<10000x128xf32, #tpu.memory_space<hbm>> -> memref<10000x128xf32, #tpu.memory_space<hbm>>
      tpu.wait_indirect_dma semaphore(%arg13 : memref<!tpu.dma_semaphore, #tpu.memory_space<semaphore_mem>>) src(%dma_wait3A_85 : memref<10000x128xf32, #tpu.memory_space<hbm>>) dst(%arg10 : memref<128x128xf32, #tpu.memory_space<vmem>>)
      "tpu.region"() ({
        %run_scoped3A = tpu.sem_alloc : memref<!tpu.dma_semaphore, #tpu.memory_space<semaphore_mem>>
        %dma_start3A_100 = arith.constant 0 : i32
        %dma_start3A_101 = tpu.memref_slice %arg9[%mul3A_71, %dma_start3A_100] : memref<40x128xi32, #tpu.memory_space<vmem>> -> memref<1x128xi32, #tpu.memory_space<vmem>>
        %dma_start3A_102 = tpu.memref_squeeze %dma_start3A_101 : memref<1x128xi32, #tpu.memory_space<vmem>> -> memref<128xi32, #tpu.memory_space<vmem>>
        %dma_start3A_103 = arith.constant 0 : i32
        %dma_start3A_104 = arith.constant 0 : i32
        %dma_start3A_105 = tpu.memref_slice %arg12[%dma_start3A_103, %dma_start3A_104] : memref<10240x128xf32, #tpu.memory_space<vmem_shared>> -> memref<10240x128xf32, #tpu.memory_space<vmem_shared>>
        tpu.enqueue_indirect_dma source(%arg10 : memref<128x128xf32, #tpu.memory_space<vmem>>) target(%dma_start3A_105 : memref<10240x128xf32, #tpu.memory_space<vmem_shared>>) offsets(%dma_start3A_102 : memref<128xi32, #tpu.memory_space<vmem>>) semaphore(%run_scoped3A : memref<!tpu.dma_semaphore, #tpu.memory_space<semaphore_mem>>) {add = true}
        %dma_wait3A_106 = arith.constant 0 : i32
        %dma_wait3A_107 = tpu.memref_slice %arg9[%mul3A_71, %dma_wait3A_106] : memref<40x128xi32, #tpu.memory_space<vmem>> -> memref<1x128xi32, #tpu.memory_space<vmem>>
        %dma_wait3A_108 = tpu.memref_squeeze %dma_wait3A_107 : memref<1x128xi32, #tpu.memory_space<vmem>> -> memref<128xi32, #tpu.memory_space<vmem>>
        %dma_wait3A_109 = arith.constant 0 : i32
        %dma_wait3A_110 = arith.constant 0 : i32
        %dma_wait3A_111 = tpu.memref_slice %arg12[%dma_wait3A_109, %dma_wait3A_110] : memref<10240x128xf32, #tpu.memory_space<vmem_shared>> -> memref<10240x128xf32, #tpu.memory_space<vmem_shared>>
        tpu.wait_indirect_dma semaphore(%run_scoped3A : memref<!tpu.dma_semaphore, #tpu.memory_space<semaphore_mem>>) src(%arg10 : memref<128x128xf32, #tpu.memory_space<vmem>>) dst(%dma_wait3A_111 : memref<10240x128xf32, #tpu.memory_space<vmem_shared>>)
        tpu.yield
      }) : () -> ()
      %lt3A_86 = arith.constant 19 : i32
      %lt3A_87 = arith.cmpi slt, %scan3A_69, %lt3A_86 : i32
      %convert_element_type3A_88 = arith.extui %lt3A_87 : i1 to i32
      %cond3A_89 = arith.constant 0 : i32
      %cond3A_90 = arith.cmpi ne, %convert_element_type3A_88, %cond3A_89 : i32
      scf.if %cond3A_90 {
        %add3A_100 = arith.constant 2 : i32
        %add3A_101 = arith.addi %mul3A_71, %add3A_100 : i32
        %dma_start3A_102 = arith.constant 0 : i32
        %dma_start3A_103 = tpu.memref_slice %arg8[%add3A_101, %dma_start3A_102] : memref<40x128xi32, #tpu.memory_space<vmem>> -> memref<1x128xi32, #tpu.memory_space<vmem>>
        %dma_start3A_104 = tpu.memref_squeeze %dma_start3A_103 : memref<1x128xi32, #tpu.memory_space<vmem>> -> memref<128xi32, #tpu.memory_space<vmem>>
        %dma_start3A_105 = arith.constant 0 : i32
        %dma_start3A_106 = arith.constant 0 : i32
        %dma_start3A_107 = tpu.memref_slice %arg2[%dma_start3A_105, %dma_start3A_106] : memref<10000x128xf32, #tpu.memory_space<hbm>> -> memref<10000x128xf32, #tpu.memory_space<hbm>>
        tpu.enqueue_indirect_dma source(%dma_start3A_107 : memref<10000x128xf32, #tpu.memory_space<hbm>>) target(%arg10 : memref<128x128xf32, #tpu.memory_space<vmem>>) offsets(%dma_start3A_104 : memref<128xi32, #tpu.memory_space<vmem>>) semaphore(%arg13 : memref<!tpu.dma_semaphore, #tpu.memory_space<semaphore_mem>>)
      } else {
      }
      %dma_wait3A_91 = arith.constant 0 : i32
      %dma_wait3A_92 = arith.constant 0 : i32
      %dma_wait3A_93 = tpu.memref_slice %arg8[%dma_wait3A_91, %dma_wait3A_92] : memref<40x128xi32, #tpu.memory_space<vmem>> -> memref<1x128xi32, #tpu.memory_space<vmem>>
      %dma_wait3A_94 = tpu.memref_squeeze %dma_wait3A_93 : memref<1x128xi32, #tpu.memory_space<vmem>> -> memref<128xi32, #tpu.memory_space<vmem>>
      %dma_wait3A_95 = arith.constant 0 : i32
      %dma_wait3A_96 = arith.constant 0 : i32
      %dma_wait3A_97 = tpu.memref_slice %arg2[%dma_wait3A_95, %dma_wait3A_96] : memref<10000x128xf32, #tpu.memory_space<hbm>> -> memref<10000x128xf32, #tpu.memory_space<hbm>>
      tpu.wait_indirect_dma semaphore(%arg14 : memref<!tpu.dma_semaphore, #tpu.memory_space<semaphore_mem>>) src(%dma_wait3A_97 : memref<10000x128xf32, #tpu.memory_space<hbm>>) dst(%arg11 : memref<128x128xf32, #tpu.memory_space<vmem>>)
      %add3A_98 = arith.constant 1 : i32
      %add3A_99 = arith.addi %mul3A_71, %add3A_98 : i32
      "tpu.region"() ({
        %run_scoped3A = tpu.sem_alloc : memref<!tpu.dma_semaphore, #tpu.memory_space<semaphore_mem>>
        %dma_start3A_100 = arith.constant 0 : i32
        %dma_start3A_101 = tpu.memref_slice %arg9[%add3A_99, %dma_start3A_100] : memref<40x128xi32, #tpu.memory_space<vmem>> -> memref<1x128xi32, #tpu.memory_space<vmem>>
        %dma_start3A_102 = tpu.memref_squeeze %dma_start3A_101 : memref<1x128xi32, #tpu.memory_space<vmem>> -> memref<128xi32, #tpu.memory_space<vmem>>
        %dma_start3A_103 = arith.constant 0 : i32
        %dma_start3A_104 = arith.constant 0 : i32
        %dma_start3A_105 = tpu.memref_slice %arg12[%dma_start3A_103, %dma_start3A_104] : memref<10240x128xf32, #tpu.memory_space<vmem_shared>> -> memref<10240x128xf32, #tpu.memory_space<vmem_shared>>
        tpu.enqueue_indirect_dma source(%arg11 : memref<128x128xf32, #tpu.memory_space<vmem>>) target(%dma_start3A_105 : memref<10240x128xf32, #tpu.memory_space<vmem_shared>>) offsets(%dma_start3A_102 : memref<128xi32, #tpu.memory_space<vmem>>) semaphore(%run_scoped3A : memref<!tpu.dma_semaphore, #tpu.memory_space<semaphore_mem>>) {add = true}
        %dma_wait3A_106 = arith.constant 0 : i32
        %dma_wait3A_107 = tpu.memref_slice %arg9[%add3A_99, %dma_wait3A_106] : memref<40x128xi32, #tpu.memory_space<vmem>> -> memref<1x128xi32, #tpu.memory_space<vmem>>
        %dma_wait3A_108 = tpu.memref_squeeze %dma_wait3A_107 : memref<1x128xi32, #tpu.memory_space<vmem>> -> memref<128xi32, #tpu.memory_space<vmem>>
        %dma_wait3A_109 = arith.constant 0 : i32
        %dma_wait3A_110 = arith.constant 0 : i32
        %dma_wait3A_111 = tpu.memref_slice %arg12[%dma_wait3A_109, %dma_wait3A_110] : memref<10240x128xf32, #tpu.memory_space<vmem_shared>> -> memref<10240x128xf32, #tpu.memory_space<vmem_shared>>
        tpu.wait_indirect_dma semaphore(%run_scoped3A : memref<!tpu.dma_semaphore, #tpu.memory_space<semaphore_mem>>) src(%arg11 : memref<128x128xf32, #tpu.memory_space<vmem>>) dst(%dma_wait3A_111 : memref<10240x128xf32, #tpu.memory_space<vmem_shared>>)
        tpu.yield
      }) : () -> ()
    }
    %scan3A_67 = arith.constant 20 : i32
    %barrier3A_68 = arith.constant 0 : index
    tpu.barrier barrier_id(%barrier3A_68)
    "tpu.region"() ({
      %run_scoped3A = tpu.sem_alloc : memref<!tpu.dma_semaphore, #tpu.memory_space<semaphore_mem>>
      %dma_start3A_69 = arith.constant 0 : i32
      %dma_start3A_70 = tpu.memref_slice %arg7[%arg0, %mul3A_24, %dma_start3A_69] : memref<2x10240x128xf32, #tpu.memory_space<hbm>> -> memref<1x640x128xf32, #tpu.memory_space<hbm>>
      %dma_start3A_71 = tpu.memref_squeeze %dma_start3A_70 : memref<1x640x128xf32, #tpu.memory_space<hbm>> -> memref<640x128xf32, #tpu.memory_space<hbm>>
      %dma_start3A_72 = arith.constant 0 : i32
      %dma_start3A_73 = tpu.memref_slice %arg12[%mul3A_24, %dma_start3A_72] : memref<10240x128xf32, #tpu.memory_space<vmem_shared>> -> memref<640x128xf32, #tpu.memory_space<vmem_shared>>
      tpu.enqueue_dma source(%dma_start3A_73 : memref<640x128xf32, #tpu.memory_space<vmem_shared>>) target(%dma_start3A_71 : memref<640x128xf32, #tpu.memory_space<hbm>>) target_semaphore(%run_scoped3A : memref<!tpu.dma_semaphore, #tpu.memory_space<semaphore_mem>>)
      %dma_wait3A = arith.constant 0 : i32
      %dma_wait3A_74 = tpu.memref_slice %arg7[%arg0, %mul3A_24, %dma_wait3A] : memref<2x10240x128xf32, #tpu.memory_space<hbm>> -> memref<1x640x128xf32, #tpu.memory_space<hbm>>
      %dma_wait3A_75 = tpu.memref_squeeze %dma_wait3A_74 : memref<1x640x128xf32, #tpu.memory_space<hbm>> -> memref<640x128xf32, #tpu.memory_space<hbm>>
      %dma_wait3A_76 = arith.constant 0 : i32
      %dma_wait3A_77 = tpu.memref_slice %arg12[%mul3A_24, %dma_wait3A_76] : memref<10240x128xf32, #tpu.memory_space<vmem_shared>> -> memref<640x128xf32, #tpu.memory_space<vmem_shared>>
      tpu.wait_dma2 semaphore(%run_scoped3A : memref<!tpu.dma_semaphore, #tpu.memory_space<semaphore_mem>>) src(%dma_wait3A_77 : memref<640x128xf32, #tpu.memory_space<vmem_shared>>) dst(%dma_wait3A_75 : memref<640x128xf32, #tpu.memory_space<hbm>>)
      tpu.yield
    }) : () -> ()
    return
  }
}

module attributes {stable_mosaic.version = 14 : i64} {
  func.func @_mm_body(%arg0: i32, %arg1: memref<2x2000x128xf32, #tpu.memory_space<vmem>>, %arg2: memref<128x128xf32, #tpu.memory_space<vmem>>, %arg3: memref<1x128xf32, #tpu.memory_space<vmem>>, %arg4: memref<2000x128xf32, #tpu.memory_space<vmem>>) attributes {dimension_semantics = [#tpu.dimension_semantics<arbitrary>], iteration_bounds = array<i64: 5>, scalar_prefetch = 0 : i64, scratch_operands = 0 : i64, tpu.core_type = #tpu.core_type<tc>, window_params = [{transform_indices = @transform_0, window_bounds = array<i64: 2, 2000, 128>}, {pipeline_mode = #tpu.pipeline_mode<synchronous>, transform_indices = @transform_1, window_bounds = array<i64: 128, 128>}, {pipeline_mode = #tpu.pipeline_mode<synchronous>, transform_indices = @transform_2, window_bounds = array<i64: 1, 128>}, {transform_indices = @transform_3, window_bounds = array<i64: 2000, 128>}]} {
    %get3A = arith.constant 0 : index
    %get3A_0 = arith.constant 0 : index
    %get3A_1 = arith.constant 0 : index
    %get3A_2 = vector.load %arg1[%get3A, %get3A_0, %get3A_1] : memref<2x2000x128xf32, #tpu.memory_space<vmem>>, vector<1x2000x128xf32>
    %get3A_3 = vector.shape_cast %get3A_2 : vector<1x2000x128xf32> to vector<2000x128xf32>
    %get3A_4 = arith.constant 1 : index
    %get3A_5 = arith.constant 0 : index
    %get3A_6 = arith.constant 0 : index
    %get3A_7 = vector.load %arg1[%get3A_4, %get3A_5, %get3A_6] : memref<2x2000x128xf32, #tpu.memory_space<vmem>>, vector<1x2000x128xf32>
    %get3A_8 = vector.shape_cast %get3A_7 : vector<1x2000x128xf32> to vector<2000x128xf32>
    %add3A = arith.addf %get3A_3, %get3A_8 : vector<2000x128xf32>
    %get3A_9 = arith.constant 0 : index
    %get3A_10 = arith.constant 0 : index
    %get3A_11 = vector.load %arg2[%get3A_9, %get3A_10] : memref<128x128xf32, #tpu.memory_space<vmem>>, vector<128x128xf32>
    %dot_general3A = arith.constant dense<0.000000e+00> : vector<2000x128xf32>
    %dot_general3A_12 = tpu.matmul %add3A, %get3A_11, %dot_general3A {dimension_numbers = #tpu.dot_dimension_numbers<[1], [0], [0], [1], [0, 0, 1, 1], [], []>, transpose_lhs_hint = false} : vector<2000x128xf32>, vector<128x128xf32>, vector<2000x128xf32> -> vector<2000x128xf32>
    %get3A_13 = arith.constant 0 : index
    %get3A_14 = arith.constant 0 : index
    %get3A_15 = vector.load %arg3[%get3A_13, %get3A_14] : memref<1x128xf32, #tpu.memory_space<vmem>>, vector<1x128xf32>
    %add3A_16 = vector.broadcast %get3A_15 : vector<1x128xf32> to vector<2000x128xf32>
    %add3A_17 = arith.addf %dot_general3A_12, %add3A_16 : vector<2000x128xf32>
    %swap3A = arith.constant 0 : index
    %swap3A_18 = arith.constant 0 : index
    %swap3A_19 = vector.load %arg4[%swap3A, %swap3A_18] : memref<2000x128xf32, #tpu.memory_space<vmem>>, vector<2000x128xf32>
    tpu.vector_store %arg4[%swap3A, %swap3A_18], %add3A_17 {strides = array<i32>} : memref<2000x128xf32, #tpu.memory_space<vmem>>, vector<2000x128xf32>,
    return
  }
  func.func @transform_0(%arg0: i32) -> (i32, i32, i32) {
    %c0_i32 = arith.constant 0 : i32
    %c0_i32_0 = arith.constant 0 : i32
    %c0_i32_1 = arith.constant 0 : i32
    return %c0_i32, %arg0, %c0_i32_0 : i32, i32, i32
  }
  func.func @transform_1(%arg0: i32) -> (i32, i32) {
    %c0_i32 = arith.constant 0 : i32
    %c0_i32_0 = arith.constant 0 : i32
    %c0_i32_1 = arith.constant 0 : i32
    return %c0_i32, %c0_i32_0 : i32, i32
  }
  func.func @transform_2(%arg0: i32) -> (i32, i32) {
    %c0_i32 = arith.constant 0 : i32
    %c0_i32_0 = arith.constant 0 : i32
    %c0_i32_1 = arith.constant 0 : i32
    return %c0_i32, %c0_i32_0 : i32, i32
  }
  func.func @transform_3(%arg0: i32) -> (i32, i32) {
    %c0_i32 = arith.constant 0 : i32
    %c0_i32_0 = arith.constant 0 : i32
    return %arg0, %c0_i32 : i32, i32
  }
}

</mosaic_0001>

<sc_bundles>
// kernel: _gcn.4.cloned.1.call-start
scs
__scs_entry_jumppad:
0x0: {  	(pc) =	sbr.rel $0x88, $3  }
0x1: {  	(tag) =	ssettag $0x0;
	lr =	simm.s32 $0x1  }
0x2: {  	[smem:$0x3F9D] =	sst lr;
	_ =	strace $0xD0000000  }
0x3: {  	_ = 	snop  }
0x4: {  	_ = 	snop  }
0x5: {  	_ = 	snop  }
0x6: {  	_ = 	snop  }
0x7: {  	_ = 	snop  }
__scs_overlays_trampoline_lowered:
0x8: {  	[smem:$0x3FAC] =	sst s0  }
0x9: {  	[smem:$0x3FAD] =	sst s1  }
0xa: {  	[smem:$0x3FAE] =	sst s2  }
0xb: {  	[smem:$0x3FAF] =	sst s3  }
0xc: {  	[smem:$0x3FB0] =	sst s4  }
0xd: {  	[smem:$0x3FB1] =	sst s5  }
0xe: {  	[smem:$0x3FB2] =	sst s6  }
0xf: {  	[smem:$0x3FB3] =	sst s7  }
0x10: {  	[smem:$0x3FB4] =	sst s8  }
0x11: {  	[smem:$0x3FB5] =	sst s9;
	s0 =	simm.s32 @!p0 $0x0  }
0x12: {  	s1 =	sld [smem:$0x3F9B];
	s0 =	simm.s32 @p0 $0x1  }
0x13: {  	[smem:$0x3FB6] =	sst s0;
	s0 =	simm.s32 @!p1 $0x0  }
0x14: {  	s2 =	sld [smem:$0x3F9A];
	s0 =	simm.s32 @p1 $0x1  }
0x15: {  	[smem:$0x3FB7] =	sst s0;
	s0 =	simm.s32 @!p2 $0x0  }
0x16: {  	s3 =	sld [smem:$0x3FDB];
	s0 =	simm.s32 @p2 $0x1  }
0x17: {  	s4 =	simm.s32 $0x1BF5;
	[smem:$0x3FB9] =	sst s0  }
0x18: {  	s0 =	sld [smem:$0x3F9C];
	_ =	swait.ge [sflag:s4], $0x0  }
0x19: {  	s7 =	sld [smem:$0x3F9D]  }
0x1a: {  	s8 =	sadd.s32 $0xFFFFE003, lr  }
0x1b: {  	s9 =	sadd.s32 $0xFFFFFEF7, lr;
	s5 =	simm.s32 $0xFFFFFFFF;
	p2 =	slt.u32 s8, $0xFFFFF086  }
0x1c: {  	p1 =	slt.u32 s9, $0xF7A;
	s5 =	simm.s32 @!p2 $0x0  }
0x1d: {  	s5 =	simm.s32 @p1 $0x1;
	p0 =	seq.s32 s7, s2  }
0x1e: {  	s7 =	smul.u32 @!p0 $0xF7A, s2;
	p2 =	seq.s32 @!p0 s5, $0x0  }
0x1f: {  	s9 =	smul.u32 $0xF7A, s1;
	s8 =	simm.s32 @!p0 $0x1BF5;
	p2 =	por !p2, p0  }
0x20: {  	[sflag:s8] =	ssyncset.s32 @!p0 $0xFFFFF086;
	s6 =	sadd.s32 @!p0 s3, s7;
	s7 =	simm.s32 @!p0 $0x108  }
0x21: {  	s3 =	sadd.s32 s3, s9;
	s6 =	sadd.s32 @!p0 $0x88, s6;
	s7 =	simm.s32 @p2 $0x1082  }
0x22: {  	[simem:s7], [sflag:s8] =	dma.local @!p0 [hbm:s6], $0xF7A  }
0x23: {  	s9 =	sor.u32 $0xD0000000, s2;
	s6 =	simm.s32 $0x108;
	_ =	swait.ge @!p0 [sflag:s8], $0x0  }
0x24: {  	s3 =	sadd.s32 $0x88, s3;
	s6 =	simm.s32 @!p1 $0x1082;
	[sflag:s4] =	ssyncset.s32 $0xFFFFF086  }
0x25: {  	[simem:s6], [sflag:s4] =	dma.local [hbm:s3], $0xF7A  }
0x26: {  	[smem:$0x3F9D] =	sst s1;
	(tag) =	ssettag s2;
	_ =	strace s9  }
0x27: {  	s1 =	sld [smem:$0x3FAD]  }
0x28: {  	s2 =	sld [smem:$0x3FAE]  }
0x29: {  	s4 =	sld [smem:$0x3FB0]  }
0x2a: {  	p0 =	seq.s32 s5, $0x0;
	s5 =	sld [smem:$0x3FB1]  }
0x2b: {  	s6 =	sld [smem:$0x3FB2]  }
0x2c: {  	s7 =	sld [smem:$0x3FB3]  }
0x2d: {  	s3 =	simm.s32 $0x108;
	s8 =	sld [smem:$0x3FB4]  }
0x2e: {  	s3 =	simm.s32 @!p0 $0x1082;
	s9 =	sld [smem:$0x3FB5]  }
0x2f: {  	lr =	sadd.s32 s0, s3;
	s0 =	sld [smem:$0x3FAC]  }
0x30: {  	s3 =	sld [smem:$0x3FAF]  }
0x31: {  	[smem:$0x3FB8] =	sst s10  }
0x32: {  	s10 =	sld [smem:$0x3FB6];
	_ =	sdelay $0x3  }
0x33: {  	p0 =	seq.s32 s10, $0x1;
	s10 =	sld [smem:$0x3FB8];
	_ =	sdelay $0x3  }
0x34: {  	[smem:$0x3FB8] =	sst s10  }
0x35: {  	s10 =	sld [smem:$0x3FB7];
	_ =	sdelay $0x3  }
0x36: {  	p1 =	seq.s32 s10, $0x1;
	s10 =	sld [smem:$0x3FB8];
	_ =	sdelay $0x3  }
0x37: {  	[smem:$0x3FB8] =	sst s10  }
0x38: {  	s10 =	sld [smem:$0x3FB9]  }
0x39: {  	_ = 	snop;
	(pc) =	sbr.ind lr, $3  }
0x3a: {  	_ = 	snop  }
0x3b: {  	_ = 	snop  }
0x3c: {  	p2 =	seq.s32 s10, $0x1;
	s10 =	sld [smem:$0x3FB8]  }
0x3d: {  	_ =	shalt  }
0x3e: {  	_ =	shalt  }
0x3f: {  	_ =	shalt  }
0x40: {  	_ =	shalt  }
0x41: {  	_ =	shalt  }
0x42: {  	_ =	shalt  }
0x43: {  	_ =	shalt  }
0x44: {  	_ =	shalt  }
0x45: {  	_ =	shalt  }
0x46: {  	_ =	shalt  }
0x47: {  	_ =	shalt  }
0x48: {  	_ =	shalt  }
0x49: {  	_ =	shalt  }
0x4a: {  	_ =	shalt  }
0x4b: {  	_ =	shalt  }
0x4c: {  	_ =	shalt  }
0x4d: {  	_ =	shalt  }
0x4e: {  	_ =	shalt  }
0x4f: {  	_ =	shalt  }
0x50: {  	_ =	shalt  }
0x51: {  	_ =	shalt  }
0x52: {  	_ =	shalt  }
0x53: {  	_ =	shalt  }
0x54: {  	_ =	shalt  }
0x55: {  	_ =	shalt  }
0x56: {  	_ =	shalt  }
0x57: {  	_ =	shalt  }
0x58: {  	_ =	shalt  }
0x59: {  	_ =	shalt  }
0x5a: {  	_ =	shalt  }
0x5b: {  	_ =	shalt  }
0x5c: {  	_ =	shalt  }
0x5d: {  	_ =	shalt  }
0x5e: {  	_ =	shalt  }
0x5f: {  	_ =	shalt  }
0x60: {  	_ =	shalt  }
0x61: {  	_ =	shalt  }
0x62: {  	_ =	shalt  }
0x63: {  	_ =	shalt  }
0x64: {  	_ =	shalt  }
0x65: {  	_ =	shalt  }
0x66: {  	_ =	shalt  }
0x67: {  	_ =	shalt  }
0x68: {  	_ =	shalt  }
0x69: {  	_ =	shalt  }
0x6a: {  	_ =	shalt  }
0x6b: {  	_ =	shalt  }
0x6c: {  	_ =	shalt  }
0x6d: {  	_ =	shalt  }
0x6e: {  	_ =	shalt  }
0x6f: {  	_ =	shalt  }
0x70: {  	_ =	shalt  }
0x71: {  	_ =	shalt  }
0x72: {  	_ =	shalt  }
0x73: {  	_ =	shalt  }
0x74: {  	_ =	shalt  }
0x75: {  	_ =	shalt  }
0x76: {  	_ =	shalt  }
0x77: {  	_ =	shalt  }
0x78: {  	_ =	shalt  }
0x79: {  	_ =	shalt  }
0x7a: {  	_ =	shalt  }
0x7b: {  	_ =	shalt  }
0x7c: {  	_ =	shalt  }
0x7d: {  	_ =	shalt  }
0x7e: {  	_ =	shalt  }
0x7f: {  	_ =	shalt  }
0x80: {  	_ =	shalt  }
0x81: {  	_ =	shalt  }
0x82: {  	_ =	shalt  }
0x83: {  	_ =	shalt  }
0x84: {  	_ =	shalt  }
0x85: {  	_ =	shalt  }
0x86: {  	_ =	shalt  }
0x87: {  	_ =	shalt  }
.Lfunc_end0:
.L_simem_size_0:
called_computation_lowered:
.L_overlay_start_0:
0x88: {  	s2 =	sld [smem:$0x3FD9]  }
0x89: {  	s3 =	sld [smem:$0x3FFE];
	_ =	sdelay $0x1  }
0x8a: {  	s1 =	srdreg.scid  }
0x8b: {  	s0 =	sand.u32 $0x1, s1  }
0x8c: {  	s17 =	sshll.u32 s0, $0xA;
	s2 =	sadd.s32 s3, s2  }
0x8d: {  	s2 =	sadd.s32 s2, s17  }
0x8e: {  	[smem:$0x3FC4] =	sst s2  }
0x8f: {  	_ = 	snop  }
0x90: {  	s2 =	sld [smem:$0x3FC9]  }
0x91: {  	s18 =	sld [smem:$0x3FD0];
	(tm) =	ssettm $0x1  }
0x92: {  	s4 =	sld [smem:$0x3FFB];
	_ =	sdelay $0x3  }
0x93: {  	_ =	strace s4  }
0x94: {  	s4 =	sld [smem:$0x3FFC];
	_ =	sdelay $0x3  }
0x95: {  	_ =	strace s4  }
0x96: {  	s4 =	sld [smem:$0x3FFD];
	_ =	sdelay $0x3  }
0x97: {  	_ =	strace s4  }
0x98: {  	_ =	strace $0x8FFFFFFF  }
0x99: {  	s19 =	sld [smem:$0x3FDB];
	_ =	sdelay $0x1  }
0x9a: {  	s5 =	simm.s32 $_scs_section_size  }
0x9b: {  	s6 =	simm.s32 $_size__tile_overlayer_lowered;
	s7 =	simm.s32 $_tile_overlayer_lowered  }
0x9c: {  	s22 =	simm.s32 $0x1BFF;
	s21 =	sshll.u32 s7, $0x1;
	s4 =	sadd.s32 s5, s19  }
0x9d: {  	s8 =	simm.s32 $0x0;
	s20 =	sshll.u32 s6, $0x1;
	s6 =	sadd.s32 s21, s4  }
0x9e: {  	[timem:s8], [sflag:s22] =	dma.local [hbm:s6], s20  }
0x9f: {  	_ =	swait.ge [sflag:s22], s20  }
0xa0: {  	s5 =	ssub.s32 $0x0, s20;
	[sflag:s22] =	ssyncset.done $0x0  }
0xa1: {  	[sflag:s22] =	ssyncadd.s32 s5;
	_ =	sdelay $0x1  }
0xa2: {  	s23 =	simm.s32 $0x1B8B  }
0xa3: {  	_ =	swait.ge [sflag:s23], $0x1  }
0xa4: {  	[sflag:s23] =	ssyncset.done $0x0  }
0xa5: {  	s25 =	simm.s32 $0x1B8E;
	s24 =	sld [smem:$0x3FFE];
	[sflag:s23] =	ssyncadd.s32 $0xFFFFFFFF  }
0xa6: {  	s26 =	simm.s32 $execute0_lowered;
	[smem:$0x3FD2] =	sst s25  }
0xa7: {  	s6 =	sshll.u32 s26, $0x1;
	_ =	strace $0x80000046;
	[dreg:$0x1] =	wrdreg $0xFFFFFFFF  }
0xa8: {  	s28 =	simm.s32 $_size_execute0_lowered;
	s4 =	sadd.s32 s4, s6;
	[dreg:$0x0] =	wrdreg $0x0  }
0xa9: {  	s6 =	sshll.u32 s28, $0x1;
	[dreg:$0x2] =	wrdreg s4  }
0xaa: {  	[dreg:$0x3] =	wrdreg s6  }
0xab: {  	[dreg:$0x4] =	wrdreg $0xC0  }
0xac: {  	_ =	task [dreg:s8], $0x5FFFF  }
0xad: {  	[dreg:$0x1] =	wrdreg $0xFFFFFFFF  }
0xae: {  	[dreg:$0x0] =	wrdreg $0x60  }
0xaf: {  	[dreg:$0x2] =	wrdreg s2  }
0xb0: {  	[dreg:$0x3] =	wrdreg s18  }
0xb1: {  	[dreg:$0x4] =	wrdreg s24  }
0xb2: {  	[dreg:$0x5] =	wrdreg $0xA8000  }
0xb3: {  	[dreg:$0x6] =	wrdreg $0x9  }
0xb4: {  	_ =	task.clear_ibuf [dreg:s8], $0x7FFFF;
	_ =	strace $0x90000046  }
0xb5: {  	s29 =	simm.s32 $0x9;
	_ =	strace $0x80000048  }
0xb6: {  	_ =	swait.ge [sflag:s29], $0x1  }
0xb7: {  	[sflag:s29] =	ssyncadd.s32 $0xFFFFFFFF  }
0xb8: {  	_ =	strace $0x90000048  }
0xb9: {  	_ =	sfence  }
0xba: {  	s30 =	sld [smem:$0x0];
	_ =	sdelay $0x2  }
0xbb: {  	s31 =	sshll.u32 s1, $0xD;
	s1 =	sshrl.u32 s1, $0x2  }
0xbc: {  	s3 =	sand.u32 $0x4000, s31;
	s1 =	sadd.s32 s1, s30  }
0xbd: {  	s0 =	sor.u32 s3, s0;
	s1 =	sshll.u32 s1, $0x11  }
0xbe: {  	s0 =	sor.u32 s1, s0  }
0xbf: {  	s0 =	sadd.s32 $0x8F2B, s0  }
0xc0: {  	[sflag:s0] =	ssyncadd.remote.s32 $0x1  }
0xc1: {  	_ =	sfence.sel $0xFFFF  }
0xc2: {  	[dreg:$0x0] =	wrdreg $0xFFFFFFFF;
	(pc) =	sbr.abs _section_cstart, $3  }
0xc3: {  	[dreg:$0x1] =	wrdreg $0xFFFFFFFF  }
0xc4: {  	_ =	task.clear_ibuf [dreg:s8], $0x2FFFF;
	_ =	strace $0x9FFFFFFF  }
0xc5: {  	(tm) =	ssettm $0x7FFFFFFF  }
tec
execute0_lowered:
.L_overlay_start_1:
0x0: {  	(tag) =	ssettag $0x1  }
0x1: {  	s1 =	rddreg [dreg:$0x0]  }
0x2: {  	s0 =	rddreg [dreg:$0x1]  }
0x3: {  	s4 =	rddreg [dreg:$0x2]  }
0x4: {  	s2 =	rddreg [dreg:$0x3]  }
0x5: {  	s5 =	simm.s32 $0x0;
	s3 =	srdreg.scid;
	s22 =	stileid.u32  }
0x6: {  	s21 =	simm.s32 $0x6800;
	s28 =	simm.s32 $0x2700;
	s29 =	simm.s32 $0x2780  }
0x7: {  	s31 =	simm.s32 $0x0;
	[smem:$0x7FF] =	sst s5;
	s9 =	smul.u32 $0x14000, s22  }
0x8: {  	s7 =	sand.u32 $0x1, s3;
	s17 =	sadd.s32 $0x800, s4;
	s26 =	smul.u32 $0x50000, s22  }
0x9: {  	s23 =	sadd.s32 $0xA600, s4;
	s6 =	sadd.s32 $0xAA00, s4;
	s8 =	smul.u32 $0x140000, s7  }
0xa: {  	_ =	strace $0x80000047;
	[dreg:$0x5] =	wrdreg s23;
	s10 =	sshll.u32 s7, $0x4  }
0xb: {  	s7 =	ssub.s32 $0x2, s7;
	s23 =	simm.s32 $0x3;
	s24 =	sor.u32 s22, s10  }
0xc: {  	s25 =	sshrl.u32 s7, $0x1;
	s30 =	sshrl.u32 s26, $0x2;
	s10 =	sadd.s32 $0xA300, s4  }
0xd: {  	s22 =	simm.s32 $0x2800;
	s26 =	simm.s32 $0x1380;
	s8 =	sadd.s32 s9, s8  }
0xe: {  	s11 =	smul.u32 $0x500, s24;
	s19 =	ssub.s32 s7, s25;
	p0 =	seq.s32 s24, $0x1F  }
0xf: {  	s12 =	smul.u32 $0x2800, s24;
	s9 =	sadd.s32 $0x9B00, s0;
	s8 =	sshrl.u32 s8, $0x3  }
0x10: {  	s24 =	simm.s32 $0x2;
	s25 =	simm.s32 $0x1;
	s18 =	sadd.s32 s8, s4  }
0x11: {  	s7 =	sadd.s32 s0, s11;
	s8 =	sadd.s32 s17, s11;
	s11 =	sadd.s32 s30, s2  }
0x12: {  	s19 =	smax.u32 s19, $0x1;
	s14 =	sshrl.u32 s12, $0x3;
	s12 =	sadd.s32 $0x4000, s11  }
0x13: {  	s13 =	sadd.s32 $0x8000, s11;
	s20 =	sadd.s32 $0x280, s14;
	s14 =	sadd.s32 $0xC000, s11  }
0x14: {  	s15 =	sadd.s32 $0x10000, s11;
	s18 =	sadd.s32 $0xAE00, s18;
	s16 =	sadd.s32 s0, s20  }
0x15: {  	s17 =	sadd.s32 s17, s20;
	s0 =	sadd.s32 $0xA780, s4;
	s4 =	sadd.s32 $0xAB80, s4  }
0x16: {  	v0 =	vimm.f32 $0.0e+00;
	s20 =	simm.s32 $0x80;
	s16 =	smov.u32 @p0 s0;
	s17 =	smov.u32 @p0 s4  }
.LBB2_1:
0x17: {  	s0 =	simm.s32 @p0 $0x0;
	s4 =	simm.s32 @p0 $0x3  }
0x18: {  	[tilespmem:s0], [sflag:$0x3] =	stream.linear.gather @p0 [hbm4b:s9+s0], $0x800, $0x38;
	[tilespmem:$0x1E800] =	vst v63  }
0x19: {  	_ =	swait.ge @p0 [sflag:s4], $0x800  }
0x1a: {  	[sflag:s4] =	ssyncset.done @p0 $0x0  }
0x1b: {  	s3 =	simm.s32 @p0 $0x1400;
	[sflag:s4] =	ssyncadd.s32 @p0 $0xFFFFF800  }
0x1c: {  	[tilespmem:s3], [sflag:$0x3] =	stream.linear.gather @p0 [hbm4b:s10+s0], $0x800, $0x38;
	[tilespmem:$0x1E800] =	vst v63  }
0x1d: {  	_ =	swait.ge @p0 [sflag:s4], $0x800  }
0x1e: {  	[sflag:s4] =	ssyncset.done @p0 $0x0  }
0x1f: {  	s3 =	simm.s32 @p0 $0x800;
	s5 =	rddreg [dreg:$0x5];
	[sflag:s4] =	ssyncadd.s32 @p0 $0xFFFFF800  }
0x20: {  	[tilespmem:s3], [sflag:$0x3] =	stream.linear.gather @p0 [hbm4b:s5+s0], $0xC00, $0x38;
	[tilespmem:$0x1E800] =	vst v63  }
0x21: {  	_ =	swait.ge @p0 [sflag:s4], $0xC00  }
0x22: {  	[sflag:s4] =	ssyncset.done @p0 $0x0  }
0x23: {  	s3 =	simm.s32 @p0 $0x1C00;
	[sflag:s4] =	ssyncadd.s32 @p0 $0xFFFFF400  }
0x24: {  	[tilespmem:s3], [sflag:$0x3] =	stream.linear.gather @p0 [hbm4b:s6+s0], $0xC00, $0x38;
	[tilespmem:$0x1E800] =	vst v63  }
0x25: {  	_ =	swait.ge @p0 [sflag:s4], $0xC00  }
0x26: {  	[sflag:s4] =	ssyncset.done @p0 $0x0  }
0x27: {  	s0 =	simm.s32 @!p0 $0x0;
	s3 =	simm.s32 @!p0 $0x3;
	[sflag:s4] =	ssyncadd.s32 @p0 $0xFFFFF400  }
0x28: {  	[tilespmem:s0], [sflag:$0x3] =	stream.linear.gather @!p0 [hbm4b:s7+s0], $0x1400, $0x38;
	[tilespmem:$0x1E800] =	vst v63  }
0x29: {  	_ =	swait.ge @!p0 [sflag:s3], $0x1400  }
0x2a: {  	[sflag:s3] =	ssyncset.done @!p0 $0x0  }
0x2b: {  	s4 =	simm.s32 @!p0 $0x1400;
	[sflag:s3] =	ssyncadd.s32 @!p0 $0xFFFFEC00  }
0x2c: {  	[tilespmem:s4], [sflag:$0x3] =	stream.linear.gather @!p0 [hbm4b:s8+s0], $0x1400, $0x38;
	[tilespmem:$0x1E800] =	vst v63  }
0x2d: {  	_ =	swait.ge @!p0 [sflag:s3], $0x1400  }
0x2e: {  	s30 =	simm.s32 $0x0;
	[sflag:s3] =	ssyncset.done @!p0 $0x0  }
0x2f: {  	s0 =	simm.s32 $0x0;
	s4 =	simm.s32 $0x200;
	[sflag:s3] =	ssyncadd.s32 @!p0 $0xFFFFEC00  }
0x30: {  	[tilespmem:s21], [sflag:$0x2] =	stream.indirect.gather [hbm4b:s1+s20], $0x80, s30, s20, $0xb8;
	[tilespmem:$0x1E800] =	vst v63  }
.LBB2_2:
0x31: {  	p1 =	sne.s32 s4, $0xFE00;
	[tilespmem:s0+$0x2870] =	vst v0  }
0x32: {  	[tilespmem:s0+$0x2800] =	vst v0  }
0x33: {  	[tilespmem:s0+$0x2810] =	vst v0  }
.Ltmp0:
0x34: {  	[tilespmem:s0+$0x2820] =	vst v0;
	(pc) =	sbr.rel @p1 .LBB2_2-.Ltmp0, $4  }
0x35: {  	[tilespmem:s0+$0x2830] =	vst v0  }
0x36: {  	[tilespmem:s0+$0x2840] =	vst v0  }
0x37: {  	[tilespmem:s0+$0x2850] =	vst v0  }
0x38: {  	[tilespmem:s0+$0x2860] =	vst v0;
	s0 =	sshra.s32 s4, $0x2;
	s4 =	sadd.s32 $0x200, s4  }
0x39: {  	[tilespmem:s0+$0x2870] =	vst v0  }
0x3a: {  	[tilespmem:s0+$0x2800] =	vst v0  }
0x3b: {  	[tilespmem:s0+$0x2810] =	vst v0  }
0x3c: {  	[tilespmem:s0+$0x2820] =	vst v0  }
0x3d: {  	[tilespmem:s0+$0x2830] =	vst v0  }
0x3e: {  	[tilespmem:s0+$0x2840] =	vst v0  }
0x3f: {  	[tilespmem:s0+$0x2850] =	vst v0  }
0x40: {  	[tilespmem:s0+$0x2860] =	vst v0  }
0x41: {  	[spmem:s11] =	stream.linear.scatter [tilespmem:s22], [sflag:$0x3], $0x4000, $0x38;
	[tilespmem:$0x1E800] =	vst v63  }
0x42: {  	_ =	swait.ge [sflag:s23], $0x4000  }
0x43: {  	[sflag:s23] =	ssyncset.done $0x0  }
0x44: {  	[sflag:s23] =	ssyncadd.s32 $0xFFFFC000  }
0x45: {  	[spmem:s12] =	stream.linear.scatter [tilespmem:s22], [sflag:$0x3], $0x4000, $0x38;
	[tilespmem:$0x1E800] =	vst v63  }
0x46: {  	_ =	swait.ge [sflag:s23], $0x4000  }
0x47: {  	[sflag:s23] =	ssyncset.done $0x0  }
0x48: {  	[sflag:s23] =	ssyncadd.s32 $0xFFFFC000  }
0x49: {  	[spmem:s13] =	stream.linear.scatter [tilespmem:s22], [sflag:$0x3], $0x4000, $0x38;
	[tilespmem:$0x1E800] =	vst v63  }
0x4a: {  	_ =	swait.ge [sflag:s23], $0x4000  }
0x4b: {  	[sflag:s23] =	ssyncset.done $0x0  }
0x4c: {  	[sflag:s23] =	ssyncadd.s32 $0xFFFFC000  }
0x4d: {  	[spmem:s14] =	stream.linear.scatter [tilespmem:s22], [sflag:$0x3], $0x4000, $0x38;
	[tilespmem:$0x1E800] =	vst v63  }
0x4e: {  	_ =	swait.ge [sflag:s23], $0x4000  }
0x4f: {  	[sflag:s23] =	ssyncset.done $0x0  }
0x50: {  	[sflag:s23] =	ssyncadd.s32 $0xFFFFC000  }
0x51: {  	[spmem:s15] =	stream.linear.scatter [tilespmem:s22], [sflag:$0x3], $0x4000, $0x38;
	[tilespmem:$0x1E800] =	vst v63  }
0x52: {  	_ =	swait.ge [sflag:s23], $0x4000  }
0x53: {  	[sflag:s23] =	ssyncset.done $0x0  }
0x54: {  	[sflag:s23] =	ssyncadd.s32 $0xFFFFC000  }
0x55: {  	s3 =	simm.s32 $0x80;
	[bflag:$0x0] =	sbarrier.arrive $0xFFFF  }
0x56: {  	[tilespmem:s22], [sflag:$0x1] =	stream.indirect.gather [hbm4b:s1+s20], $0x80, s3, s20, $0xb8;
	[tilespmem:$0x1E800] =	vst v63  }
0x57: {  	_ =	swait.ge [sflag:s24], $0x4000  }
0x58: {  	[sflag:s24] =	ssyncset.done $0x0  }
0x59: {  	s4 =	simm.s32 $0x1400;
	[sflag:s24] =	ssyncadd.s32 $0xFFFFC000  }
0x5a: {  	[spmem:s2] =	stream.indirect.scatter.add.f32 [tilespmem:s21], [sflag:$0x3], $0x80, s4, s20, $0xb8;
	[tilespmem:$0x1E800] =	vst v63  }
0x5b: {  	_ =	swait.ge [sflag:s23], $0x4000  }
0x5c: {  	[sflag:s23] =	ssyncset.done $0x0  }
0x5d: {  	s5 =	simm.s32 $0x100;
	[sflag:s23] =	ssyncadd.s32 $0xFFFFC000  }
0x5e: {  	[tilespmem:s21], [sflag:$0x2] =	stream.indirect.gather [hbm4b:s1+s20], $0x80, s5, s20, $0xb8;
	[tilespmem:$0x1E800] =	vst v63  }
0x5f: {  	_ =	swait.ge [sflag:s25], $0x4000  }
0x60: {  	[sflag:s25] =	ssyncset.done $0x0  }
0x61: {  	s30 =	simm.s32 $0x1480;
	[sflag:s25] =	ssyncadd.s32 $0xFFFFC000  }
0x62: {  	[spmem:s2] =	stream.indirect.scatter.add.f32 [tilespmem:s22], [sflag:$0x3], $0x80, s30, s20, $0xb8;
	[tilespmem:$0x1E800] =	vst v63  }
0x63: {  	_ =	swait.ge [sflag:s23], $0x4000  }
0x64: {  	s0 =	simm.s32 $0x100;
	s4 =	simm.s32 $0x800;
	[sflag:s23] =	ssyncset.done $0x0  }
.LBB2_4:
0x65: {  	s3 =	sadd.s32 $0x80, s0  }
0x66: {  	[sflag:s23] =	ssyncadd.s32 $0xFFFFC000;
	s30 =	smov.u32 s4;
	s5 =	sadd.s32 $0x400, s4  }
0x67: {  	[tilespmem:s22], [sflag:$0x1] =	stream.indirect.gather [hbm4b:s1+s20], $0x80, s3, s20, $0xb8;
	[tilespmem:$0x1E800] =	vst v63  }
0x68: {  	p1 =	sne.s32 s4, $0x4800;
	_ =	swait.ge [sflag:s24], $0x4000  }
0x69: {  	[sflag:s24] =	ssyncset.done $0x0  }
0x6a: {  	s3 =	sadd.s32 $0x1400, s0;
	[sflag:s24] =	ssyncadd.s32 $0xFFFFC000  }
0x6b: {  	[spmem:s2] =	stream.indirect.scatter.add.f32 [tilespmem:s21], [sflag:$0x3], $0x80, s3, s20, $0xb8;
	[tilespmem:$0x1E800] =	vst v63  }
0x6c: {  	_ =	swait.ge [sflag:s23], $0x4000  }
0x6d: {  	[sflag:s23] =	ssyncset.done $0x0  }
0x6e: {  	s3 =	sadd.s32 $0x100, s0;
	[sflag:s23] =	ssyncadd.s32 $0xFFFFC000  }
0x6f: {  	[tilespmem:s21], [sflag:$0x2] =	stream.indirect.gather [hbm4b:s1+s20], $0x80, s3, s20, $0xb8;
	[tilespmem:$0x1E800] =	vst v63  }
0x70: {  	_ =	swait.ge [sflag:s25], $0x4000  }
.Ltmp1:
0x71: {  	[sflag:s25] =	ssyncset.done $0x0;
	(pc) =	sbr.rel @p1 .LBB2_4-.Ltmp1, $4  }
0x72: {  	s0 =	sadd.s32 $0x1480, s0;
	[sflag:s25] =	ssyncadd.s32 $0xFFFFC000  }
0x73: {  	[spmem:s2] =	stream.indirect.scatter.add.f32 [tilespmem:s22], [sflag:$0x3], $0x80, s0, s20, $0xb8;
	[tilespmem:$0x1E800] =	vst v63  }
0x74: {  	_ =	swait.ge [sflag:s23], $0x4000  }
0x75: {  	s4 =	smov.u32 s5;
	s0 =	sshra.s32 s30, $0x2;
	[sflag:s23] =	ssyncset.done $0x0  }
0x76: {  	s3 =	sadd.s32 $0x80, s0;
	[sflag:s23] =	ssyncadd.s32 $0xFFFFC000  }
0x77: {  	[tilespmem:s22], [sflag:$0x1] =	stream.indirect.gather [hbm4b:s1+s20], $0x80, s3, s20, $0xb8;
	[tilespmem:$0x1E800] =	vst v63  }
0x78: {  	_ =	swait.ge [sflag:s24], $0x4000  }
0x79: {  	[sflag:s24] =	ssyncset.done $0x0  }
0x7a: {  	s5 =	sadd.s32 $0x1400, s0;
	[sflag:s24] =	ssyncadd.s32 $0xFFFFC000  }
0x7b: {  	[spmem:s2] =	stream.indirect.scatter.add.f32 [tilespmem:s21], [sflag:$0x3], $0x80, s5, s20, $0xb8;
	[tilespmem:$0x1E800] =	vst v63  }
0x7c: {  	_ =	swait.ge [sflag:s23], $0x4000  }
0x7d: {  	[sflag:s23] =	ssyncset.done $0x0  }
0x7e: {  	s30 =	sadd.s32 $0x100, s0;
	[sflag:s23] =	ssyncadd.s32 $0xFFFFC000  }
0x7f: {  	[tilespmem:s21], [sflag:$0x2] =	stream.indirect.gather [hbm4b:s1+s20], $0x80, s30, s20, $0xb8;
	[tilespmem:$0x1E800] =	vst v63  }
0x80: {  	_ =	swait.ge [sflag:s25], $0x4000  }
0x81: {  	[sflag:s25] =	ssyncset.done $0x0  }
0x82: {  	s4 =	sadd.s32 $0x1480, s0;
	[sflag:s25] =	ssyncadd.s32 $0xFFFFC000  }
0x83: {  	[spmem:s2] =	stream.indirect.scatter.add.f32 [tilespmem:s22], [sflag:$0x3], $0x80, s4, s20, $0xb8;
	[tilespmem:$0x1E800] =	vst v63  }
0x84: {  	_ =	swait.ge [sflag:s23], $0x4000  }
0x85: {  	[sflag:s23] =	ssyncset.done $0x0  }
0x86: {  	[sflag:s23] =	ssyncadd.s32 $0xFFFFC000  }
0x87: {  	[tilespmem:s22], [sflag:$0x1] =	stream.indirect.gather [hbm4b:s1+s20], $0x80, s26, s20, $0xb8;
	[tilespmem:$0x1E800] =	vst v63  }
0x88: {  	_ =	swait.ge [sflag:s24], $0x4000  }
0x89: {  	[sflag:s24] =	ssyncset.done $0x0  }
0x8a: {  	[sflag:s24] =	ssyncadd.s32 $0xFFFFC000  }
0x8b: {  	[spmem:s2] =	stream.indirect.scatter.add.f32 [tilespmem:s21], [sflag:$0x3], $0x80, s28, s20, $0xb8;
	[tilespmem:$0x1E800] =	vst v63  }
0x8c: {  	_ =	swait.ge [sflag:s23], $0x4000  }
0x8d: {  	[sflag:s23] =	ssyncset.done $0x0  }
0x8e: {  	[sflag:s23] =	ssyncadd.s32 $0xFFFFC000  }
0x8f: {  	_ =	swait.ge [sflag:s25], $0x4000  }
0x90: {  	[sflag:s25] =	ssyncset.done $0x0  }
0x91: {  	[sflag:s25] =	ssyncadd.s32 $0xFFFFC000  }
0x92: {  	[spmem:s2] =	stream.indirect.scatter.add.f32 [tilespmem:s22], [sflag:$0x3], $0x80, s29, s20, $0xb8;
	[tilespmem:$0x1E800] =	vst v63  }
0x93: {  	_ =	swait.ge [sflag:s23], $0x4000  }
0x94: {  	[sflag:s23] =	ssyncset.done $0x0  }
0x95: {  	s5 =	simm.s32 $0x0;
	[sflag:s23] =	ssyncadd.s32 $0xFFFFC000  }
0x96: {  	[tilespmem:s5], [sflag:$0x3] =	stream.linear.gather [hbm4b:s16+s5], $0x1400, $0x38;
	[tilespmem:$0x1E800] =	vst v63  }
0x97: {  	_ =	swait.ge [sflag:s23], $0x1400  }
0x98: {  	[sflag:s23] =	ssyncset.done $0x0  }
0x99: {  	s30 =	simm.s32 $0x1400;
	[sflag:s23] =	ssyncadd.s32 $0xFFFFEC00  }
0x9a: {  	[tilespmem:s30], [sflag:$0x3] =	stream.linear.gather [hbm4b:s17+s5], $0x1400, $0x38;
	[tilespmem:$0x1E800] =	vst v63  }
0x9b: {  	_ =	swait.ge [sflag:s23], $0x1400  }
0x9c: {  	[sflag:s23] =	ssyncset.done $0x0  }
0x9d: {  	[sflag:s23] =	ssyncadd.s32 $0xFFFFEC00  }
0x9e: {  	[tilespmem:s22], [sflag:$0x1] =	stream.indirect.gather [hbm4b:s1+s20], $0x80, s5, s20, $0xb8;
	[tilespmem:$0x1E800] =	vst v63  }
0x9f: {  	s3 =	simm.s32 $0x80  }
0xa0: {  	[tilespmem:s21], [sflag:$0x2] =	stream.indirect.gather [hbm4b:s1+s20], $0x80, s3, s20, $0xb8;
	[tilespmem:$0x1E800] =	vst v63  }
0xa1: {  	_ =	swait.ge [sflag:s25], $0x4000  }
0xa2: {  	[sflag:s25] =	ssyncset.done $0x0  }
0xa3: {  	s4 =	simm.s32 $0x1400;
	[sflag:s25] =	ssyncadd.s32 $0xFFFFC000  }
0xa4: {  	[spmem:s2] =	stream.indirect.scatter.add.f32 [tilespmem:s22], [sflag:$0x3], $0x80, s4, s20, $0xb8;
	[tilespmem:$0x1E800] =	vst v63  }
0xa5: {  	_ =	swait.ge [sflag:s23], $0x4000  }
0xa6: {  	[sflag:s23] =	ssyncset.done $0x0  }
0xa7: {  	s5 =	simm.s32 $0x100;
	[sflag:s23] =	ssyncadd.s32 $0xFFFFC000  }
0xa8: {  	[tilespmem:s22], [sflag:$0x1] =	stream.indirect.gather [hbm4b:s1+s20], $0x80, s5, s20, $0xb8;
	[tilespmem:$0x1E800] =	vst v63  }
0xa9: {  	_ =	swait.ge [sflag:s24], $0x4000  }
0xaa: {  	[sflag:s24] =	ssyncset.done $0x0  }
0xab: {  	s30 =	simm.s32 $0x1480;
	[sflag:s24] =	ssyncadd.s32 $0xFFFFC000  }
0xac: {  	[spmem:s2] =	stream.indirect.scatter.add.f32 [tilespmem:s21], [sflag:$0x3], $0x80, s30, s20, $0xb8;
	[tilespmem:$0x1E800] =	vst v63  }
0xad: {  	_ =	swait.ge [sflag:s23], $0x4000  }
0xae: {  	s0 =	simm.s32 $0x100;
	s4 =	simm.s32 $0x800;
	[sflag:s23] =	ssyncset.done $0x0  }
.LBB2_6:
0xaf: {  	s3 =	sadd.s32 $0x80, s0  }
0xb0: {  	[sflag:s23] =	ssyncadd.s32 $0xFFFFC000;
	s5 =	smov.u32 s4;
	s30 =	sadd.s32 $0x400, s4  }
0xb1: {  	[tilespmem:s21], [sflag:$0x2] =	stream.indirect.gather [hbm4b:s1+s20], $0x80, s3, s20, $0xb8;
	[tilespmem:$0x1E800] =	vst v63  }
0xb2: {  	p1 =	sne.s32 s4, $0x4800;
	_ =	swait.ge [sflag:s25], $0x4000  }
0xb3: {  	[sflag:s25] =	ssyncset.done $0x0  }
0xb4: {  	s3 =	sadd.s32 $0x1400, s0;
	[sflag:s25] =	ssyncadd.s32 $0xFFFFC000  }
0xb5: {  	[spmem:s2] =	stream.indirect.scatter.add.f32 [tilespmem:s22], [sflag:$0x3], $0x80, s3, s20, $0xb8;
	[tilespmem:$0x1E800] =	vst v63  }
0xb6: {  	_ =	swait.ge [sflag:s23], $0x4000  }
0xb7: {  	[sflag:s23] =	ssyncset.done $0x0  }
0xb8: {  	s3 =	sadd.s32 $0x100, s0;
	[sflag:s23] =	ssyncadd.s32 $0xFFFFC000  }
0xb9: {  	[tilespmem:s22], [sflag:$0x1] =	stream.indirect.gather [hbm4b:s1+s20], $0x80, s3, s20, $0xb8;
	[tilespmem:$0x1E800] =	vst v63  }
0xba: {  	_ =	swait.ge [sflag:s24], $0x4000  }
.Ltmp2:
0xbb: {  	[sflag:s24] =	ssyncset.done $0x0;
	(pc) =	sbr.rel @p1 .LBB2_6-.Ltmp2, $4  }
0xbc: {  	s0 =	sadd.s32 $0x1480, s0;
	[sflag:s24] =	ssyncadd.s32 $0xFFFFC000  }
0xbd: {  	[spmem:s2] =	stream.indirect.scatter.add.f32 [tilespmem:s21], [sflag:$0x3], $0x80, s0, s20, $0xb8;
	[tilespmem:$0x1E800] =	vst v63  }
0xbe: {  	_ =	swait.ge [sflag:s23], $0x4000  }
0xbf: {  	s4 =	smov.u32 s30;
	s0 =	sshra.s32 s5, $0x2;
	[sflag:s23] =	ssyncset.done $0x0  }
0xc0: {  	s3 =	sadd.s32 $0x80, s0;
	[sflag:s23] =	ssyncadd.s32 $0xFFFFC000  }
0xc1: {  	[tilespmem:s21], [sflag:$0x2] =	stream.indirect.gather [hbm4b:s1+s20], $0x80, s3, s20, $0xb8;
	[tilespmem:$0x1E800] =	vst v63  }
0xc2: {  	_ =	swait.ge [sflag:s25], $0x4000  }
0xc3: {  	[sflag:s25] =	ssyncset.done $0x0  }
0xc4: {  	s5 =	sadd.s32 $0x1400, s0;
	[sflag:s25] =	ssyncadd.s32 $0xFFFFC000  }
0xc5: {  	[spmem:s2] =	stream.indirect.scatter.add.f32 [tilespmem:s22], [sflag:$0x3], $0x80, s5, s20, $0xb8;
	[tilespmem:$0x1E800] =	vst v63  }
0xc6: {  	_ =	swait.ge [sflag:s23], $0x4000  }
0xc7: {  	[sflag:s23] =	ssyncset.done $0x0  }
0xc8: {  	s30 =	sadd.s32 $0x100, s0;
	[sflag:s23] =	ssyncadd.s32 $0xFFFFC000  }
0xc9: {  	[tilespmem:s22], [sflag:$0x1] =	stream.indirect.gather [hbm4b:s1+s20], $0x80, s30, s20, $0xb8;
	[tilespmem:$0x1E800] =	vst v63  }
0xca: {  	_ =	swait.ge [sflag:s24], $0x4000  }
0xcb: {  	[sflag:s24] =	ssyncset.done $0x0  }
0xcc: {  	s4 =	sadd.s32 $0x1480, s0;
	[sflag:s24] =	ssyncadd.s32 $0xFFFFC000  }
0xcd: {  	[spmem:s2] =	stream.indirect.scatter.add.f32 [tilespmem:s21], [sflag:$0x3], $0x80, s4, s20, $0xb8;
	[tilespmem:$0x1E800] =	vst v63  }
0xce: {  	_ =	swait.ge [sflag:s23], $0x4000  }
0xcf: {  	[sflag:s23] =	ssyncset.done $0x0  }
0xd0: {  	[sflag:s23] =	ssyncadd.s32 $0xFFFFC000  }
0xd1: {  	[tilespmem:s21], [sflag:$0x2] =	stream.indirect.gather [hbm4b:s1+s20], $0x80, s26, s20, $0xb8;
	[tilespmem:$0x1E800] =	vst v63  }
0xd2: {  	_ =	swait.ge [sflag:s25], $0x4000  }
0xd3: {  	[sflag:s25] =	ssyncset.done $0x0  }
0xd4: {  	[sflag:s25] =	ssyncadd.s32 $0xFFFFC000  }
0xd5: {  	[spmem:s2] =	stream.indirect.scatter.add.f32 [tilespmem:s22], [sflag:$0x3], $0x80, s28, s20, $0xb8;
	[tilespmem:$0x1E800] =	vst v63  }
0xd6: {  	_ =	swait.ge [sflag:s23], $0x4000  }
0xd7: {  	[sflag:s23] =	ssyncset.done $0x0  }
0xd8: {  	[sflag:s23] =	ssyncadd.s32 $0xFFFFC000  }
0xd9: {  	_ =	swait.ge [sflag:s24], $0x4000  }
0xda: {  	[sflag:s24] =	ssyncset.done $0x0  }
0xdb: {  	[sflag:s24] =	ssyncadd.s32 $0xFFFFC000  }
0xdc: {  	[spmem:s2] =	stream.indirect.scatter.add.f32 [tilespmem:s21], [sflag:$0x3], $0x80, s29, s20, $0xb8;
	[tilespmem:$0x1E800] =	vst v63  }
0xdd: {  	s5 =	stileid.u32;
	_ =	swait.ge [sflag:s23], $0x4000  }
0xde: {  	s31 =	sadd.s32 $0x1, s31;
	s0 =	sshll.u32 s5, $0x6;
	[sflag:s23] =	ssyncset.done $0x0  }
0xdf: {  	p1 =	sne.s32 s31, s19;
	s0 =	sor.u32 $0x1C03, s0;
	[sflag:s23] =	ssyncadd.s32 $0xFFFFC000  }
.Ltmp3:
0xe0: {  	s30 =	sshrl.u32 s11, $0x3;
	[bflag:$0x0] =	sbarrier.arrive $0xFFFF;
	(pc) =	sbr.rel @p1 .LBB2_1-.Ltmp3, $4  }
0xe1: {  	[hbm:s18], [sflag:s0] =	dma.local [spmem:s30], $0x2800  }
0xe2: {  	_ =	swait.ge [sflag:s23], $0x2800  }
0xe3: {  	[sflag:s23] =	ssyncset.done $0x0  }
0xe4: {  	[sflag:s23] =	ssyncadd.s32 $0xFFFFD800  }
0xe5: {  	_ =	sfence.sel $0x180000  }
0xe6: {  	[bflag:$0x0] =	sbarrier.arrive $0xFFFF  }
0xe7: {  	_ =	strace $0x90000047  }
0xe8: {  	s0 =	stileid.u32;
	[bflag:$0x2] =	sbarrier.arrive $0xFFFF  }
0xe9: {  	p0 =	sne.s32 s0, $0x0;
	s0 =	rddreg [dreg:$0x4]  }
0xea: {  	s0 =	sadd.s32 @!p0 $0x100000, s0  }
0xeb: {  	[sflag:s0] =	ssyncadd.tile.s32 @!p0 $0x1;
	_ =	shalt  }
.Lfunc_end2:
_tile_overlayer_lowered:
.L_overlay_start_2:
0xec: {  	(tag) =	ssettag $0x2  }
0xed: {  	s0 =	rddreg [dreg:$0x0];
	s2 =	stileid.u32  }
0xee: {  	s1 =	rddreg [dreg:$0x1];
	p0 =	sne.s32 s2, $0x0  }
0xef: {  	s3 =	rddreg [dreg:$0x2];
	[bflag:$0x3] =	sbarrier.arrive $0xFFFF;
	s2 =	simm.s32 @!p0 $0x1C03  }
0xf0: {  	[timem:s3], [sflag:s2] =	dma.local @!p0 [hbm:s0], s1  }
0xf1: {  	s0 =	simm.s32 @!p0 $0x3  }
0xf2: {  	_ =	swait.ge @!p0 [sflag:s0], s1  }
0xf3: {  	s1 =	ssub.s32 @!p0 $0x0, s1;
	[sflag:s0] =	ssyncset.done @!p0 $0x0  }
0xf4: {  	[sflag:s0] =	ssyncadd.s32 @!p0 s1  }
0xf5: {  	[bflag:$0x3] =	sbarrier.arrive $0xFFFF  }
0xf6: {  	_ =	shalt  }

</sc_bundles>
